<compile_context>
chip_gen: v7x
topology: tpu7x:2x2x1
jax: 0.10.2.dev20260603
libtpu: 0.0.44.dev20260713+nightly
codegen_flags: <defaults>
</compile_context>

<pallas_src>
import functools

import jax
import jax.numpy as jnp
from jax import lax
from jax.experimental import pallas as pl
from jax.experimental.pallas import tpu as pltpu
from jax.experimental.pallas import tpu_sc as plsc

_NW = 32
_CH = 80


def _prep_body(r_ref, qc_ref, fq_ref, wm2t_ref, wma2t_ref, bma_ref,
               wxa2t_ref, bxa_ref, gam_ref, bet_ref,
               rbn_ref, rw_ref, ca_ref, c0_ref, c1_ref):
    r = r_ref[...]
    mu = jnp.mean(r, axis=0, keepdims=True)
    var = jnp.mean((r - mu) ** 2, axis=0, keepdims=True)
    rbn = (r - mu) * lax.rsqrt(var + 1e-5) * gam_ref[...] + bet_ref[...]
    rbn_ref[...] = rbn
    rw_ref[...] = jnp.dot(rbn, wm2t_ref[...], preferred_element_type=jnp.float32)
    ca_ref[...] = (jnp.dot(qc_ref[...], wma2t_ref[...],
                           preferred_element_type=jnp.float32) + bma_ref[...])
    cc = (jnp.dot(fq_ref[...], wxa2t_ref[...],
                  preferred_element_type=jnp.float32) + bxa_ref[...])
    c0_ref[...] = cc[0:1]
    c1_ref[...] = cc[1:2]


def _edge_body(he_ref, rwg_ref, wm1t_ref, bm_ref, wa1t_ref, ca_ref, wma_ref,
               wmess_ref, wraw_ref):
    he = he_ref[...]
    m = jnp.dot(he, wm1t_ref[...], preferred_element_type=jnp.float32)
    mess = jnp.tanh(m + rwg_ref[...] + bm_ref[...])
    v = jnp.dot(mess, wa1t_ref[...], preferred_element_type=jnp.float32) + ca_ref[...]
    v = jnp.where(v >= 0, v, 0.01 * v)
    coeff = jnp.sum(v * wma_ref[...], axis=1, keepdims=True)
    w = jnp.exp(coeff)
    wmess_ref[...] = mess * w
    coeff_row = lax.dot_general(wma_ref[...], v, (((1,), (1,)), ((), ())),
                                preferred_element_type=jnp.float32)
    wraw_ref[...] = jnp.exp(coeff_row)[None]


def _node_body(x_ref, acc_ref, ssum_ref, wx1t_ref, c0_ref, c1_ref, wxa_ref,
               out_ref):
    xb = x_ref[...]
    a = acc_ref[0] + acc_ref[1]
    s = ssum_ref[0] + ssum_ref[1]
    sm = a * jnp.where(s > 0, 1.0 / s, 0.0)
    wxa = wxa_ref[...]
    u0 = jnp.dot(xb, wx1t_ref[...], preferred_element_type=jnp.float32) + c0_ref[...]
    u0 = jnp.where(u0 >= 0, u0, 0.01 * u0)
    k0 = jnp.sum(u0 * wxa, axis=1, keepdims=True)
    u1 = jnp.dot(sm, wx1t_ref[...], preferred_element_type=jnp.float32) + c1_ref[...]
    u1 = jnp.where(u1 >= 0, u1, 0.01 * u1)
    k1 = jnp.sum(u1 * wxa, axis=1, keepdims=True)
    mx = jnp.maximum(k0, k1)
    e0 = jnp.exp(k0 - mx)
    e1 = jnp.exp(k1 - mx)
    w0 = e0 / (e0 + e1)
    out_ref[...] = w0 * xb + (1.0 - w0) * sm


def _make_gather(E, n, H):
    per_w = E // _NW
    nit = per_w // _CH
    npairs = (nit + 1) // 2
    idx_len = 2 * npairs * _CH + 2 * _CH
    pad = idx_len - per_w
    mesh = plsc.VectorSubcoreMesh(core_axis_name="c", subcore_axis_name="s")

    @functools.partial(
        pl.kernel, mesh=mesh,
        out_type=(jax.ShapeDtypeStruct((E + pad, H), jnp.float32),
                  jax.ShapeDtypeStruct((E + pad, H), jnp.float32)),
        scratch_types=[
            pltpu.VMEM((idx_len,), jnp.int32),
            pltpu.VMEM((idx_len,), jnp.int32),
            pltpu.VMEM((_CH, H), jnp.float32),
            pltpu.VMEM((_CH, H), jnp.float32),
            pltpu.VMEM((_CH, H), jnp.float32),
            pltpu.VMEM((_CH, H), jnp.float32),
            pltpu.VMEM((32, H), jnp.float32),
            pltpu.VMEM_SHARED((512, H), jnp.float32),
            pltpu.SemaphoreType.DMA,
            pltpu.SemaphoreType.DMA,
            pltpu.SemaphoreType.DMA,
            pltpu.SemaphoreType.DMA,
            pltpu.SemaphoreType.DMA,
            pltpu.SemaphoreType.DMA,
        ],
    )
    def gather(x_hbm, rw_hbm, head_hbm, attr_hbm, he_out, rwg_out,
               idxh, idxr, bh0, bh1, br0, br1, rstage, rw_sh,
               sh0, sh1, sr0, sr1, sw0, sw1):
        wid = lax.axis_index("s") * 2 + lax.axis_index("c")
        s = lax.axis_index("s")
        base0 = pl.multiple_of(wid * per_w, 8)
        r0 = pl.multiple_of(s * 32, 8)
        pltpu.sync_copy(rw_hbm.at[pl.ds(r0, 32)], rstage)
        pltpu.sync_copy(rstage, rw_sh.at[pl.ds(r0, 32)])
        pltpu.sync_copy(head_hbm.at[pl.ds(base0, idx_len)], idxh)
        pltpu.sync_copy(attr_hbm.at[pl.ds(base0, idx_len)], idxr)
        plsc.subcore_barrier()

        def issue(j, bh, br, sh, sr):
            pltpu.async_copy(x_hbm.at[idxh.at[pl.ds(j * _CH, _CH)]], bh, sh)
            pltpu.async_copy(rw_sh.at[idxr.at[pl.ds(j * _CH, _CH)]], br, sr)

        def wait(bh, br, sh, sr):
            pltpu.make_async_copy(x_hbm.at[pl.ds(0, _CH)], bh, sh).wait()
            pltpu.make_async_copy(x_hbm.at[pl.ds(0, _CH)], br, sr).wait()

        def wb_start(base, bh, br, sw):
            pltpu.async_copy(bh, he_out.at[pl.ds(base, _CH)], sw)
            pltpu.async_copy(br, rwg_out.at[pl.ds(base, _CH)], sw)

        def wb_wait(bh, br, sw):
            pltpu.make_async_copy(bh, he_out.at[pl.ds(0, _CH)], sw).wait()
            pltpu.make_async_copy(br, rwg_out.at[pl.ds(0, _CH)], sw).wait()

        issue(0, bh0, br0, sh0, sr0)
        issue(1, bh1, br1, sh1, sr1)

        def body(g, carry):
            j0 = 2 * g
            base_a = pl.multiple_of(base0 + j0 * _CH, 8)
            base_b = pl.multiple_of(base_a + _CH, 8)
            wait(bh0, br0, sh0, sr0)
            wb_start(base_a, bh0, br0, sw0)
            wait(bh1, br1, sh1, sr1)
            wb_start(base_b, bh1, br1, sw1)
            wb_wait(bh0, br0, sw0)
            issue(j0 + 2, bh0, br0, sh0, sr0)
            wb_wait(bh1, br1, sw1)
            issue(j0 + 3, bh1, br1, sh1, sr1)
            return carry

        lax.fori_loop(0, npairs, body, 0)
        wait(bh0, br0, sh0, sr0)
        wait(bh1, br1, sh1, sr1)

    return gather, pad


def kernel(x, r, que_context, fin_que, edge_index, edge_attr,
           W_mess, b_mess, W_ma, b_ma, w_ma, W_xa, b_xa, w_xa,
           bn_gamma, bn_beta):
    n, H = x.shape
    E = edge_index.shape[1]
    R = r.shape[0]
    assert E % (_NW * _CH) == 0 and H == 128

    head = edge_index[0].astype(jnp.int32)
    tail = edge_index[1].astype(jnp.int32)
    attr = edge_attr.astype(jnp.int32)

    rbn, rW, ca, c0, c1 = pl.pallas_call(
        _prep_body,
        out_shape=(
            jax.ShapeDtypeStruct((R, H), jnp.float32),
            jax.ShapeDtypeStruct((R, H), jnp.float32),
            jax.ShapeDtypeStruct((1, H), jnp.float32),
            jax.ShapeDtypeStruct((1, H), jnp.float32),
            jax.ShapeDtypeStruct((1, H), jnp.float32),
        ),
    )(r, que_context, fin_que[0],
      W_mess[:, H:].T, W_ma[:, H:].T, b_ma.reshape(1, H),
      W_xa[:, H:].T, b_xa.reshape(1, H),
      bn_gamma.reshape(1, H), bn_beta.reshape(1, H))

    gfn, gpad = _make_gather(E, n, H)
    head_p = jnp.concatenate([head, jnp.zeros((gpad,), jnp.int32)])
    attr_p = jnp.concatenate([attr, jnp.zeros((gpad,), jnp.int32)])
    rW_p = jnp.concatenate([rW, jnp.zeros((512 - R, H), jnp.float32)])
    he, rwg = gfn(x, rW_p, head_p, attr_p)

    B = 2560
    grid = (E // B,)
    wmess, wraw = pl.pallas_call(
        _edge_body,
        grid=grid,
        in_specs=[
            pl.BlockSpec((B, H), lambda i: (i, 0)),
            pl.BlockSpec((B, H), lambda i: (i, 0)),
            pl.BlockSpec((H, H), lambda i: (0, 0)),
            pl.BlockSpec((1, H), lambda i: (0, 0)),
            pl.BlockSpec((H, H), lambda i: (0, 0)),
            pl.BlockSpec((1, H), lambda i: (0, 0)),
            pl.BlockSpec((1, H), lambda i: (0, 0)),
        ],
        out_specs=(
            pl.BlockSpec((B, H), lambda i: (i, 0)),
            pl.BlockSpec((1, 1, B), lambda i: (i, 0, 0)),
        ),
        out_shape=(
            jax.ShapeDtypeStruct((E + _CH, H), jnp.float32),
            jax.ShapeDtypeStruct((E // B, 1, B), jnp.float32),
        ),
    )(he, rwg, W_mess[:, :H].T, b_mess.reshape(1, H),
      W_ma[:, :H].T, ca, w_ma)

    np_ = 10240
    zacc = jnp.zeros((40, H), jnp.float32)
    zs1 = jnp.zeros((40,), jnp.float32)
    wraw1 = jnp.concatenate([wraw.reshape(E), jnp.zeros((_CH,), jnp.float32)])
    tail_p = jnp.concatenate([tail, jnp.zeros((_CH,), jnp.int32)])

    mesh = plsc.VectorSubcoreMesh(core_axis_name="c", subcore_axis_name="s")
    per_w = E // _NW
    nit = per_w // _CH
    npr = (nit - 1) // 2
    half = E // 2

    @functools.partial(
        pl.kernel, mesh=mesh,
        out_type=(jax.ShapeDtypeStruct((2 * np_, H), jnp.float32),
                  jax.ShapeDtypeStruct((2 * np_,), jnp.float32)),
        scratch_types=[
            pltpu.VMEM((2, _CH), jnp.int32),
            pltpu.VMEM((_CH, H), jnp.float32),
            pltpu.VMEM((_CH, H), jnp.float32),
            pltpu.VMEM((_CH,), jnp.float32),
            pltpu.VMEM((_CH,), jnp.float32),
            pltpu.VMEM((40, H), jnp.float32),
            pltpu.VMEM((40,), jnp.float32),
            pltpu.VMEM_SHARED((np_, H), jnp.float32),
            pltpu.VMEM_SHARED((np_,), jnp.float32),
            pltpu.SemaphoreType.DMA,
            pltpu.SemaphoreType.DMA,
        ],
    )
    def _sc_scatter(wmess_hbm, wraw_hbm, tail_hbm, z_hbm, zs_hbm,
                    acc_out, ssum_out,
                    idx2, rb0, rb1, wb0, wb1, zb_v, zs_v,
                    acc_sh, ssum_sh, ld0, ld1):
        c = lax.axis_index("c")
        s = lax.axis_index("s")
        pltpu.sync_copy(z_hbm, zb_v)
        pltpu.sync_copy(zs_hbm, zs_v)

        def zbody(j, carry):
            r0 = pl.multiple_of(s * 640 + j * 40, 8)
            pltpu.sync_copy(zb_v, acc_sh.at[pl.ds(r0, 40)])
            pltpu.sync_copy(zs_v, ssum_sh.at[pl.ds(r0, 40)])
            return carry

        lax.fori_loop(0, 16, zbody, 0)
        plsc.subcore_barrier()
        base0 = pl.multiple_of(c * half + s * per_w, 8)

        def issue(j, b, rb, wb, sem):
            base = pl.multiple_of(base0 + j * _CH, 8)
            pltpu.async_copy(tail_hbm.at[pl.ds(base, _CH)], idx2.at[b], sem)
            pltpu.async_copy(wmess_hbm.at[pl.ds(base, _CH)], rb, sem)
            pltpu.async_copy(wraw_hbm.at[pl.ds(base, _CH)], wb, sem)

        def wait(b, rb, wb, sem):
            pltpu.make_async_copy(tail_hbm.at[pl.ds(0, _CH)], idx2.at[b], sem).wait()
            pltpu.make_async_copy(wmess_hbm.at[pl.ds(0, _CH)], rb, sem).wait()
            pltpu.make_async_copy(wraw_hbm.at[pl.ds(0, _CH)], wb, sem).wait()

        def scat(b, rb, wb):
            pltpu.sync_copy(rb, acc_sh.at[idx2.at[b]], add=True)
            pltpu.sync_copy(wb, ssum_sh.at[idx2.at[b]], add=True)

        issue(0, 0, rb0, wb0, ld0)
        issue(1, 1, rb1, wb1, ld1)

        def body(g, carry):
            j0 = 2 * g
            wait(0, rb0, wb0, ld0)
            scat(0, rb0, wb0)
            issue(j0 + 2, 0, rb0, wb0, ld0)
            wait(1, rb1, wb1, ld1)
            scat(1, rb1, wb1)
            issue(j0 + 3, 1, rb1, wb1, ld1)
            return carry

        lax.fori_loop(0, npr, body, 0)
        wait(0, rb0, wb0, ld0)
        scat(0, rb0, wb0)
        wait(1, rb1, wb1, ld1)
        plsc.subcore_barrier()

        def fbody(j, carry):
            r0 = pl.multiple_of(s * 640 + j * 40, 8)
            o0 = pl.multiple_of(c * np_ + s * 640 + j * 40, 8)
            pltpu.sync_copy(acc_sh.at[pl.ds(r0, 40)], zb_v)
            pltpu.sync_copy(zb_v, acc_out.at[pl.ds(o0, 40)])
            pltpu.sync_copy(ssum_sh.at[pl.ds(r0, 40)], zs_v)
            pltpu.sync_copy(zs_v, ssum_out.at[pl.ds(o0, 40)])
            return carry

        lax.fori_loop(0, 16, fbody, 0)

    acc_flat, ssum_flat = _sc_scatter(wmess, wraw1, tail_p, zacc, zs1)
    acc = acc_flat.reshape(2, np_, H)[:, :n]
    ssum = ssum_flat.reshape(2, np_, 1)[:, :n]

    Bn = 2000
    x_out = pl.pallas_call(
        _node_body,
        grid=(n // Bn,),
        in_specs=[
            pl.BlockSpec((Bn, H), lambda i: (i, 0)),
            pl.BlockSpec((2, Bn, H), lambda i: (0, i, 0)),
            pl.BlockSpec((2, Bn, 1), lambda i: (0, i, 0)),
            pl.BlockSpec((H, H), lambda i: (0, 0)),
            pl.BlockSpec((1, H), lambda i: (0, 0)),
            pl.BlockSpec((1, H), lambda i: (0, 0)),
            pl.BlockSpec((1, H), lambda i: (0, 0)),
        ],
        out_specs=pl.BlockSpec((Bn, H), lambda i: (i, 0)),
        out_shape=jax.ShapeDtypeStruct((n, H), jnp.float32),
    )(x, acc, ssum, W_xa[:, :H].T, c0, c1, w_xa)

    return (x_out, rbn)

# --- scband reference (transcript-rebuilt; emitter-appended) ---
"""Pipeline reference for scband-atten-gcn-layer-77799037600427 (READ-ONLY COPY).

The authoritative reference and input builder live on the scoring server;
editing this copy changes nothing except your own understanding.
"""

import jax, jax.numpy as jnp
import numpy as np

N = 10000
E = 320000
H = 128
R = 500


def setup_inputs(seed: int = 0) -> dict:
    key = jax.random.key(seed)
    ks = jax.random.split(key, 12)
    x = jax.random.normal(ks[0], (N, H), dtype=jnp.float32)
    r = jax.random.normal(ks[1], (R, H), dtype=jnp.float32)
    que_context = jax.random.normal(ks[2], (1, H), dtype=jnp.float32)
    fin_que = jax.random.normal(ks[3], (1, 2, H), dtype=jnp.float32)
    edge_index = jax.random.randint(ks[4], (2, E), 0, N)
    edge_attr = jax.random.randint(ks[5], (E,), 0, R)
    # learned parameters
    W_mess = jax.random.normal(ks[6], (H, 2 * H), dtype=jnp.float32) * (1.0 / np.sqrt(2 * H))
    b_mess = jnp.zeros((H,), dtype=jnp.float32)
    W_ma = jax.random.normal(ks[7], (H, 2 * H), dtype=jnp.float32) * (1.0 / np.sqrt(2 * H))
    b_ma = jnp.zeros((H,), dtype=jnp.float32)
    w_ma = jax.random.normal(ks[8], (1, H), dtype=jnp.float32) * (1.0 / np.sqrt(H))
    W_xa = jax.random.normal(ks[9], (H, 2 * H), dtype=jnp.float32) * (1.0 / np.sqrt(2 * H))
    b_xa = jnp.zeros((H,), dtype=jnp.float32)
    w_xa = jax.random.normal(ks[10], (1, H), dtype=jnp.float32) * (1.0 / np.sqrt(H))
    bn_gamma = jnp.ones((H,), dtype=jnp.float32)
    bn_beta = jnp.zeros((H,), dtype=jnp.float32)
    return {"x": x, "r": r, "que_context": que_context, "fin_que": fin_que,
            "edge_index": edge_index, "edge_attr": edge_attr,
            "W_mess": W_mess, "b_mess": b_mess, "W_ma": W_ma, "b_ma": b_ma, "w_ma": w_ma,
            "W_xa": W_xa, "b_xa": b_xa, "w_xa": w_xa,
            "bn_gamma": bn_gamma, "bn_beta": bn_beta}


def reference(x, r, que_context, fin_que, edge_index, edge_attr,
              W_mess, b_mess, W_ma, b_ma, w_ma, W_xa, b_xa, w_xa,
              bn_gamma, bn_beta):
    n = x.shape[0]
    # BatchNorm1d (training-mode batch stats, affine)
    mu = jnp.mean(r, axis=0)
    var = jnp.var(r, axis=0)
    r = (r - mu) / jnp.sqrt(var + 1e-5) * bn_gamma + bn_beta
    head_ents = edge_index[0]
    tail_ents = edge_index[1]
    head_embeds = x[head_ents]
    rel_embeds = r[edge_attr]
    mess = jnp.tanh(jnp.concatenate([head_embeds, rel_embeds], axis=1) @ W_mess.T + b_mess)
    qc = jnp.broadcast_to(que_context, (mess.shape[0], que_context.shape[1]))
    mess_coeffs = jax.nn.leaky_relu(jnp.concatenate([mess, qc], axis=1) @ W_ma.T + b_ma, negative_slope=0.01)
    mess_coeffs = jnp.sum(w_ma * mess_coeffs, axis=1)
    seg_max = jax.ops.segment_max(mess_coeffs, tail_ents, num_segments=n)
    mess_coeffs = mess_coeffs - seg_max[tail_ents]
    mess_coeffs = jnp.exp(mess_coeffs)
    mess_sum = jax.ops.segment_sum(mess_coeffs, tail_ents, num_segments=n)[tail_ents]
    mess_weights = mess_coeffs / (mess_sum + 1e-16)
    mess = mess * mess_weights[:, None]
    sum_mess = jax.ops.segment_sum(mess, tail_ents, num_segments=n)
    x_stack = jnp.stack([x, sum_mess], axis=1)  # [N, 2, H]
    fq = jnp.broadcast_to(fin_que, (n, 2, fin_que.shape[2]))
    x_coeffs = jax.nn.leaky_relu(jnp.concatenate([x_stack, fq], axis=2) @ W_xa.T + b_xa, negative_slope=0.01)
    x_coeffs = jnp.sum(w_xa[None] * x_coeffs, axis=2)  # [N, 2]
    x_weight = jax.nn.softmax(x_coeffs, axis=1)
    x_out = x_weight[:, 0:1] * x + x_weight[:, 1:2] * sum_mess
    # dropout p=0.0 -> identity
    return (x_out, r)

if __name__ == "__main__":
    import jax
    _d = setup_inputs()
    print(jax.jit(kernel)(*tuple(_d.values())))

</pallas_src>

<mosaic_0001>
#map = affine_map<(d0, d1) -> (0, 0)>
#map1 = affine_map<(d0, d1) -> (0)>
module attributes {stable_mosaic.version = 14 : i64} {
  func.func @_sc_scatter(%arg0: i32, %arg1: i32, %arg2: memref<320080x128xf32, #tpu.memory_space<hbm>>, %arg3: memref<320080xf32, #tpu.memory_space<hbm>>, %arg4: memref<320080xi32, #tpu.memory_space<hbm>>, %arg5: memref<40x128xf32, #tpu.memory_space<hbm>>, %arg6: memref<40xf32, #tpu.memory_space<hbm>>, %arg7: memref<20480x128xf32, #tpu.memory_space<hbm>>, %arg8: memref<20480xf32, #tpu.memory_space<hbm>>, %arg9: memref<2x80xi32, #tpu.memory_space<vmem>>, %arg10: memref<80x128xf32, #tpu.memory_space<vmem>>, %arg11: memref<80x128xf32, #tpu.memory_space<vmem>>, %arg12: memref<80xf32, #tpu.memory_space<vmem>>, %arg13: memref<80xf32, #tpu.memory_space<vmem>>, %arg14: memref<40x128xf32, #tpu.memory_space<vmem>>, %arg15: memref<40xf32, #tpu.memory_space<vmem>>, %arg16: memref<10240x128xf32, #tpu.memory_space<vmem_shared>>, %arg17: memref<10240xf32, #tpu.memory_space<vmem_shared>>, %arg18: memref<!tpu.dma_semaphore, #tpu.memory_space<semaphore_mem>>, %arg19: memref<!tpu.dma_semaphore, #tpu.memory_space<semaphore_mem>>) attributes {dimension_semantics = [#tpu.dimension_semantics<core_parallel>, #tpu.dimension_semantics<subcore_parallel>], iteration_bounds = array<i64: 2, 16>, scalar_prefetch = 0 : i64, scratch_operands = 11 : i64, tpu.core_type = #tpu.core_type<sc_vector_subcore>, window_params = [{transform_indices = #map}, {transform_indices = #map1}, {transform_indices = #map1}, {transform_indices = #map}, {transform_indices = #map1}, {transform_indices = #map}, {transform_indices = #map1}]} {
    "tpu.region"() ({
      %run_scoped3A_98 = tpu.sem_alloc : memref<!tpu.dma_semaphore, #tpu.memory_space<semaphore_mem>>
      tpu.enqueue_dma source(%arg5 : memref<40x128xf32, #tpu.memory_space<hbm>>) target(%arg14 : memref<40x128xf32, #tpu.memory_space<vmem>>) target_semaphore(%run_scoped3A_98 : memref<!tpu.dma_semaphore, #tpu.memory_space<semaphore_mem>>)
      tpu.wait_dma2 semaphore(%run_scoped3A_98 : memref<!tpu.dma_semaphore, #tpu.memory_space<semaphore_mem>>) src(%arg5 : memref<40x128xf32, #tpu.memory_space<hbm>>) dst(%arg14 : memref<40x128xf32, #tpu.memory_space<vmem>>)
      tpu.yield
    }) : () -> ()
    "tpu.region"() ({
      %run_scoped3A_98 = tpu.sem_alloc : memref<!tpu.dma_semaphore, #tpu.memory_space<semaphore_mem>>
      tpu.enqueue_dma source(%arg6 : memref<40xf32, #tpu.memory_space<hbm>>) target(%arg15 : memref<40xf32, #tpu.memory_space<vmem>>) target_semaphore(%run_scoped3A_98 : memref<!tpu.dma_semaphore, #tpu.memory_space<semaphore_mem>>)
      tpu.wait_dma2 semaphore(%run_scoped3A_98 : memref<!tpu.dma_semaphore, #tpu.memory_space<semaphore_mem>>) src(%arg6 : memref<40xf32, #tpu.memory_space<hbm>>) dst(%arg15 : memref<40xf32, #tpu.memory_space<vmem>>)
      tpu.yield
    }) : () -> ()
    %scan3A = arith.constant 0 : i32
    %scan3A_0 = arith.constant 0 : i32
    %scan3A_1 = arith.constant 16 : i32
    %scan3A_2 = arith.addi %scan3A_0, %scan3A_1 : i32
    %scan3A_3 = arith.constant 1 : i32
    scf.for %scan3A_98 = %scan3A_0 to %scan3A_2 step %scan3A_3  : i32 {
      %mul3A_99 = arith.constant 640 : i32
      %mul3A_100 = arith.muli %arg1, %mul3A_99 : i32
      %mul3A_101 = arith.constant 40 : i32
      %mul3A_102 = arith.muli %scan3A_98, %mul3A_101 : i32
      %add3A_103 = arith.addi %mul3A_100, %mul3A_102 : i32
      %multiple_of3A_104 = tpu.assume_multiple %add3A_103, 8 : i32
      "tpu.region"() ({
        %run_scoped3A_105 = tpu.sem_alloc : memref<!tpu.dma_semaphore, #tpu.memory_space<semaphore_mem>>
        %dma_start3A_106 = arith.constant 0 : i32
        %dma_start3A_107 = tpu.memref_slice %arg16[%multiple_of3A_104, %dma_start3A_106] : memref<10240x128xf32, #tpu.memory_space<vmem_shared>> -> memref<40x128xf32, #tpu.memory_space<vmem_shared>>
        %dma_start3A_108 = arith.constant 0 : i32
        %dma_start3A_109 = tpu.memref_slice %arg16[%multiple_of3A_104, %dma_start3A_108] : memref<10240x128xf32, #tpu.memory_space<vmem_shared>> -> memref<40x128xf32, #tpu.memory_space<vmem_shared>>
        tpu.enqueue_dma source(%arg14 : memref<40x128xf32, #tpu.memory_space<vmem>>) target(%dma_start3A_109 : memref<40x128xf32, #tpu.memory_space<vmem_shared>>) target_semaphore(%run_scoped3A_105 : memref<!tpu.dma_semaphore, #tpu.memory_space<semaphore_mem>>)
        %dma_wait3A_110 = arith.constant 0 : i32
        %dma_wait3A_111 = tpu.memref_slice %arg16[%multiple_of3A_104, %dma_wait3A_110] : memref<10240x128xf32, #tpu.memory_space<vmem_shared>> -> memref<40x128xf32, #tpu.memory_space<vmem_shared>>
        %dma_wait3A_112 = arith.constant 0 : i32
        %dma_wait3A_113 = tpu.memref_slice %arg16[%multiple_of3A_104, %dma_wait3A_112] : memref<10240x128xf32, #tpu.memory_space<vmem_shared>> -> memref<40x128xf32, #tpu.memory_space<vmem_shared>>
        tpu.wait_dma2 semaphore(%run_scoped3A_105 : memref<!tpu.dma_semaphore, #tpu.memory_space<semaphore_mem>>) src(%arg14 : memref<40x128xf32, #tpu.memory_space<vmem>>) dst(%dma_wait3A_113 : memref<40x128xf32, #tpu.memory_space<vmem_shared>>)
        tpu.yield
      }) : () -> ()
      "tpu.region"() ({
        %run_scoped3A_105 = tpu.sem_alloc : memref<!tpu.dma_semaphore, #tpu.memory_space<semaphore_mem>>
        %dma_start3A_106 = tpu.memref_slice %arg17[%multiple_of3A_104] : memref<10240xf32, #tpu.memory_space<vmem_shared>> -> memref<40xf32, #tpu.memory_space<vmem_shared>>
        %dma_start3A_107 = tpu.memref_slice %arg17[%multiple_of3A_104] : memref<10240xf32, #tpu.memory_space<vmem_shared>> -> memref<40xf32, #tpu.memory_space<vmem_shared>>
        tpu.enqueue_dma source(%arg15 : memref<40xf32, #tpu.memory_space<vmem>>) target(%dma_start3A_107 : memref<40xf32, #tpu.memory_space<vmem_shared>>) target_semaphore(%run_scoped3A_105 : memref<!tpu.dma_semaphore, #tpu.memory_space<semaphore_mem>>)
        %dma_wait3A_108 = tpu.memref_slice %arg17[%multiple_of3A_104] : memref<10240xf32, #tpu.memory_space<vmem_shared>> -> memref<40xf32, #tpu.memory_space<vmem_shared>>
        %dma_wait3A_109 = tpu.memref_slice %arg17[%multiple_of3A_104] : memref<10240xf32, #tpu.memory_space<vmem_shared>> -> memref<40xf32, #tpu.memory_space<vmem_shared>>
        tpu.wait_dma2 semaphore(%run_scoped3A_105 : memref<!tpu.dma_semaphore, #tpu.memory_space<semaphore_mem>>) src(%arg15 : memref<40xf32, #tpu.memory_space<vmem>>) dst(%dma_wait3A_109 : memref<40xf32, #tpu.memory_space<vmem_shared>>)
        tpu.yield
      }) : () -> ()
    }
    %scan3A_4 = arith.constant 16 : i32
    %barrier3A = arith.constant 0 : index
    tpu.barrier barrier_id(%barrier3A)
    %mul3A = arith.constant 160000 : i32
    %mul3A_5 = arith.muli %arg0, %mul3A : i32
    %mul3A_6 = arith.constant 10000 : i32
    %mul3A_7 = arith.muli %arg1, %mul3A_6 : i32
    %add3A = arith.addi %mul3A_5, %mul3A_7 : i32
    %multiple_of3A = tpu.assume_multiple %add3A, 8 : i32
    %add3A_8 = arith.constant 0 : i32
    %add3A_9 = arith.addi %multiple_of3A, %add3A_8 : i32
    %multiple_of3A_10 = tpu.assume_multiple %add3A_9, 8 : i32
    %dma_start3A = arith.constant 0 : i32
    %dma_start3A_11 = arith.constant 0 : i32
    %dma_start3A_12 = tpu.memref_slice %arg9[%dma_start3A, %dma_start3A_11] : memref<2x80xi32, #tpu.memory_space<vmem>> -> memref<1x80xi32, #tpu.memory_space<vmem>>
    %dma_start3A_13 = tpu.memref_squeeze %dma_start3A_12 : memref<1x80xi32, #tpu.memory_space<vmem>> -> memref<80xi32, #tpu.memory_space<vmem>>
    %dma_start3A_14 = tpu.memref_slice %arg4[%multiple_of3A_10] : memref<320080xi32, #tpu.memory_space<hbm>> -> memref<80xi32, #tpu.memory_space<hbm>>
    %dma_start3A_15 = arith.constant 0 : i32
    %dma_start3A_16 = tpu.memref_slice %arg9[%dma_start3A, %dma_start3A_15] : memref<2x80xi32, #tpu.memory_space<vmem>> -> memref<1x80xi32, #tpu.memory_space<vmem>>
    %dma_start3A_17 = tpu.memref_squeeze %dma_start3A_16 : memref<1x80xi32, #tpu.memory_space<vmem>> -> memref<80xi32, #tpu.memory_space<vmem>>
    %dma_start3A_18 = tpu.memref_slice %arg4[%multiple_of3A_10] : memref<320080xi32, #tpu.memory_space<hbm>> -> memref<80xi32, #tpu.memory_space<hbm>>
    tpu.enqueue_dma source(%dma_start3A_18 : memref<80xi32, #tpu.memory_space<hbm>>) target(%dma_start3A_17 : memref<80xi32, #tpu.memory_space<vmem>>) target_semaphore(%arg18 : memref<!tpu.dma_semaphore, #tpu.memory_space<semaphore_mem>>)
    %dma_start3A_19 = arith.constant 0 : i32
    %dma_start3A_20 = tpu.memref_slice %arg2[%multiple_of3A_10, %dma_start3A_19] : memref<320080x128xf32, #tpu.memory_space<hbm>> -> memref<80x128xf32, #tpu.memory_space<hbm>>
    %dma_start3A_21 = arith.constant 0 : i32
    %dma_start3A_22 = tpu.memref_slice %arg2[%multiple_of3A_10, %dma_start3A_21] : memref<320080x128xf32, #tpu.memory_space<hbm>> -> memref<80x128xf32, #tpu.memory_space<hbm>>
    tpu.enqueue_dma source(%dma_start3A_22 : memref<80x128xf32, #tpu.memory_space<hbm>>) target(%arg10 : memref<80x128xf32, #tpu.memory_space<vmem>>) target_semaphore(%arg18 : memref<!tpu.dma_semaphore, #tpu.memory_space<semaphore_mem>>)
    %dma_start3A_23 = tpu.memref_slice %arg3[%multiple_of3A_10] : memref<320080xf32, #tpu.memory_space<hbm>> -> memref<80xf32, #tpu.memory_space<hbm>>
    %dma_start3A_24 = tpu.memref_slice %arg3[%multiple_of3A_10] : memref<320080xf32, #tpu.memory_space<hbm>> -> memref<80xf32, #tpu.memory_space<hbm>>
    tpu.enqueue_dma source(%dma_start3A_24 : memref<80xf32, #tpu.memory_space<hbm>>) target(%arg12 : memref<80xf32, #tpu.memory_space<vmem>>) target_semaphore(%arg18 : memref<!tpu.dma_semaphore, #tpu.memory_space<semaphore_mem>>)
    %add3A_25 = arith.constant 80 : i32
    %add3A_26 = arith.addi %multiple_of3A, %add3A_25 : i32
    %multiple_of3A_27 = tpu.assume_multiple %add3A_26, 8 : i32
    %dma_start3A_28 = arith.constant 1 : i32
    %dma_start3A_29 = arith.constant 0 : i32
    %dma_start3A_30 = tpu.memref_slice %arg9[%dma_start3A_28, %dma_start3A_29] : memref<2x80xi32, #tpu.memory_space<vmem>> -> memref<1x80xi32, #tpu.memory_space<vmem>>
    %dma_start3A_31 = tpu.memref_squeeze %dma_start3A_30 : memref<1x80xi32, #tpu.memory_space<vmem>> -> memref<80xi32, #tpu.memory_space<vmem>>
    %dma_start3A_32 = tpu.memref_slice %arg4[%multiple_of3A_27] : memref<320080xi32, #tpu.memory_space<hbm>> -> memref<80xi32, #tpu.memory_space<hbm>>
    %dma_start3A_33 = arith.constant 0 : i32
    %dma_start3A_34 = tpu.memref_slice %arg9[%dma_start3A_28, %dma_start3A_33] : memref<2x80xi32, #tpu.memory_space<vmem>> -> memref<1x80xi32, #tpu.memory_space<vmem>>
    %dma_start3A_35 = tpu.memref_squeeze %dma_start3A_34 : memref<1x80xi32, #tpu.memory_space<vmem>> -> memref<80xi32, #tpu.memory_space<vmem>>
    %dma_start3A_36 = tpu.memref_slice %arg4[%multiple_of3A_27] : memref<320080xi32, #tpu.memory_space<hbm>> -> memref<80xi32, #tpu.memory_space<hbm>>
    tpu.enqueue_dma source(%dma_start3A_36 : memref<80xi32, #tpu.memory_space<hbm>>) target(%dma_start3A_35 : memref<80xi32, #tpu.memory_space<vmem>>) target_semaphore(%arg19 : memref<!tpu.dma_semaphore, #tpu.memory_space<semaphore_mem>>)
    %dma_start3A_37 = arith.constant 0 : i32
    %dma_start3A_38 = tpu.memref_slice %arg2[%multiple_of3A_27, %dma_start3A_37] : memref<320080x128xf32, #tpu.memory_space<hbm>> -> memref<80x128xf32, #tpu.memory_space<hbm>>
    %dma_start3A_39 = arith.constant 0 : i32
    %dma_start3A_40 = tpu.memref_slice %arg2[%multiple_of3A_27, %dma_start3A_39] : memref<320080x128xf32, #tpu.memory_space<hbm>> -> memref<80x128xf32, #tpu.memory_space<hbm>>
    tpu.enqueue_dma source(%dma_start3A_40 : memref<80x128xf32, #tpu.memory_space<hbm>>) target(%arg11 : memref<80x128xf32, #tpu.memory_space<vmem>>) target_semaphore(%arg19 : memref<!tpu.dma_semaphore, #tpu.memory_space<semaphore_mem>>)
    %dma_start3A_41 = tpu.memref_slice %arg3[%multiple_of3A_27] : memref<320080xf32, #tpu.memory_space<hbm>> -> memref<80xf32, #tpu.memory_space<hbm>>
    %dma_start3A_42 = tpu.memref_slice %arg3[%multiple_of3A_27] : memref<320080xf32, #tpu.memory_space<hbm>> -> memref<80xf32, #tpu.memory_space<hbm>>
    tpu.enqueue_dma source(%dma_start3A_42 : memref<80xf32, #tpu.memory_space<hbm>>) target(%arg13 : memref<80xf32, #tpu.memory_space<vmem>>) target_semaphore(%arg19 : memref<!tpu.dma_semaphore, #tpu.memory_space<semaphore_mem>>)
    %scan3A_43 = arith.constant 0 : i32
    %scan3A_44 = arith.constant 0 : i32
    %scan3A_45 = arith.constant 62 : i32
    %scan3A_46 = arith.addi %scan3A_44, %scan3A_45 : i32
    %scan3A_47 = arith.constant 1 : i32
    scf.for %scan3A_98 = %scan3A_44 to %scan3A_46 step %scan3A_47  : i32 {
      %mul3A_99 = arith.constant 2 : i32
      %mul3A_100 = arith.muli %mul3A_99, %scan3A_98 : i32
      %dma_wait3A_101 = arith.constant 0 : i32
      %dma_wait3A_102 = arith.constant 0 : i32
      %dma_wait3A_103 = tpu.memref_slice %arg9[%dma_wait3A_101, %dma_wait3A_102] : memref<2x80xi32, #tpu.memory_space<vmem>> -> memref<1x80xi32, #tpu.memory_space<vmem>>
      %dma_wait3A_104 = tpu.memref_squeeze %dma_wait3A_103 : memref<1x80xi32, #tpu.memory_space<vmem>> -> memref<80xi32, #tpu.memory_space<vmem>>
      %dma_wait3A_105 = arith.constant 0 : i32
      %dma_wait3A_106 = tpu.memref_slice %arg4[%dma_wait3A_105] : memref<320080xi32, #tpu.memory_space<hbm>> -> memref<80xi32, #tpu.memory_space<hbm>>
      %dma_wait3A_107 = arith.constant 0 : i32
      %dma_wait3A_108 = tpu.memref_slice %arg9[%dma_wait3A_101, %dma_wait3A_107] : memref<2x80xi32, #tpu.memory_space<vmem>> -> memref<1x80xi32, #tpu.memory_space<vmem>>
      %dma_wait3A_109 = tpu.memref_squeeze %dma_wait3A_108 : memref<1x80xi32, #tpu.memory_space<vmem>> -> memref<80xi32, #tpu.memory_space<vmem>>
      %dma_wait3A_110 = arith.constant 0 : i32
      %dma_wait3A_111 = tpu.memref_slice %arg4[%dma_wait3A_110] : memref<320080xi32, #tpu.memory_space<hbm>> -> memref<80xi32, #tpu.memory_space<hbm>>
      tpu.wait_dma2 semaphore(%arg18 : memref<!tpu.dma_semaphore, #tpu.memory_space<semaphore_mem>>) src(%dma_wait3A_111 : memref<80xi32, #tpu.memory_space<hbm>>) dst(%dma_wait3A_109 : memref<80xi32, #tpu.memory_space<vmem>>)
      %dma_wait3A_112 = arith.constant 0 : i32
      %dma_wait3A_113 = arith.constant 0 : i32
      %dma_wait3A_114 = tpu.memref_slice %arg2[%dma_wait3A_112, %dma_wait3A_113] : memref<320080x128xf32, #tpu.memory_space<hbm>> -> memref<80x128xf32, #tpu.memory_space<hbm>>
      %dma_wait3A_115 = arith.constant 0 : i32
      %dma_wait3A_116 = arith.constant 0 : i32
      %dma_wait3A_117 = tpu.memref_slice %arg2[%dma_wait3A_115, %dma_wait3A_116] : memref<320080x128xf32, #tpu.memory_space<hbm>> -> memref<80x128xf32, #tpu.memory_space<hbm>>
      tpu.wait_dma2 semaphore(%arg18 : memref<!tpu.dma_semaphore, #tpu.memory_space<semaphore_mem>>) src(%dma_wait3A_117 : memref<80x128xf32, #tpu.memory_space<hbm>>) dst(%arg10 : memref<80x128xf32, #tpu.memory_space<vmem>>)
      %dma_wait3A_118 = arith.constant 0 : i32
      %dma_wait3A_119 = tpu.memref_slice %arg3[%dma_wait3A_118] : memref<320080xf32, #tpu.memory_space<hbm>> -> memref<80xf32, #tpu.memory_space<hbm>>
      %dma_wait3A_120 = arith.constant 0 : i32
      %dma_wait3A_121 = tpu.memref_slice %arg3[%dma_wait3A_120] : memref<320080xf32, #tpu.memory_space<hbm>> -> memref<80xf32, #tpu.memory_space<hbm>>
      tpu.wait_dma2 semaphore(%arg18 : memref<!tpu.dma_semaphore, #tpu.memory_space<semaphore_mem>>) src(%dma_wait3A_121 : memref<80xf32, #tpu.memory_space<hbm>>) dst(%arg12 : memref<80xf32, #tpu.memory_space<vmem>>)
      %run_scoped3A_122 = arith.constant 0 : i32
      "tpu.region"() ({
        %run_scoped3A_189 = tpu.sem_alloc : memref<!tpu.dma_semaphore, #tpu.memory_space<semaphore_mem>>
        %dma_start3A_190 = arith.constant 0 : i32
        %dma_start3A_191 = tpu.memref_slice %arg9[%run_scoped3A_122, %dma_start3A_190] : memref<2x80xi32, #tpu.memory_space<vmem>> -> memref<1x80xi32, #tpu.memory_space<vmem>>
        %dma_start3A_192 = tpu.memref_squeeze %dma_start3A_191 : memref<1x80xi32, #tpu.memory_space<vmem>> -> memref<80xi32, #tpu.memory_space<vmem>>
        %dma_start3A_193 = arith.constant 0 : i32
        %dma_start3A_194 = arith.constant 0 : i32
        %dma_start3A_195 = tpu.memref_slice %arg16[%dma_start3A_193, %dma_start3A_194] : memref<10240x128xf32, #tpu.memory_space<vmem_shared>> -> memref<10240x128xf32, #tpu.memory_space<vmem_shared>>
        tpu.enqueue_indirect_dma source(%arg10 : memref<80x128xf32, #tpu.memory_space<vmem>>) target(%dma_start3A_195 : memref<10240x128xf32, #tpu.memory_space<vmem_shared>>) offsets(%dma_start3A_192 : memref<80xi32, #tpu.memory_space<vmem>>) semaphore(%run_scoped3A_189 : memref<!tpu.dma_semaphore, #tpu.memory_space<semaphore_mem>>) {add = true}
        %dma_wait3A_196 = arith.constant 0 : i32
        %dma_wait3A_197 = tpu.memref_slice %arg9[%run_scoped3A_122, %dma_wait3A_196] : memref<2x80xi32, #tpu.memory_space<vmem>> -> memref<1x80xi32, #tpu.memory_space<vmem>>
        %dma_wait3A_198 = tpu.memref_squeeze %dma_wait3A_197 : memref<1x80xi32, #tpu.memory_space<vmem>> -> memref<80xi32, #tpu.memory_space<vmem>>
        %dma_wait3A_199 = arith.constant 0 : i32
        %dma_wait3A_200 = arith.constant 0 : i32
        %dma_wait3A_201 = tpu.memref_slice %arg16[%dma_wait3A_199, %dma_wait3A_200] : memref<10240x128xf32, #tpu.memory_space<vmem_shared>> -> memref<10240x128xf32, #tpu.memory_space<vmem_shared>>
        tpu.wait_indirect_dma semaphore(%run_scoped3A_189 : memref<!tpu.dma_semaphore, #tpu.memory_space<semaphore_mem>>) src(%arg10 : memref<80x128xf32, #tpu.memory_space<vmem>>) dst(%dma_wait3A_201 : memref<10240x128xf32, #tpu.memory_space<vmem_shared>>)
        tpu.yield
      }) : () -> ()
      %run_scoped3A_123 = arith.constant 0 : i32
      "tpu.region"() ({
        %run_scoped3A_189 = tpu.sem_alloc : memref<!tpu.dma_semaphore, #tpu.memory_space<semaphore_mem>>
        %dma_start3A_190 = arith.constant 0 : i32
        %dma_start3A_191 = tpu.memref_slice %arg9[%run_scoped3A_123, %dma_start3A_190] : memref<2x80xi32, #tpu.memory_space<vmem>> -> memref<1x80xi32, #tpu.memory_space<vmem>>
        %dma_start3A_192 = tpu.memref_squeeze %dma_start3A_191 : memref<1x80xi32, #tpu.memory_space<vmem>> -> memref<80xi32, #tpu.memory_space<vmem>>
        %dma_start3A_193 = arith.constant 0 : i32
        %dma_start3A_194 = tpu.memref_slice %arg17[%dma_start3A_193] : memref<10240xf32, #tpu.memory_space<vmem_shared>> -> memref<10240xf32, #tpu.memory_space<vmem_shared>>
        tpu.enqueue_indirect_dma source(%arg12 : memref<80xf32, #tpu.memory_space<vmem>>) target(%dma_start3A_194 : memref<10240xf32, #tpu.memory_space<vmem_shared>>) offsets(%dma_start3A_192 : memref<80xi32, #tpu.memory_space<vmem>>) semaphore(%run_scoped3A_189 : memref<!tpu.dma_semaphore, #tpu.memory_space<semaphore_mem>>) {add = true}
        %dma_wait3A_195 = arith.constant 0 : i32
        %dma_wait3A_196 = tpu.memref_slice %arg9[%run_scoped3A_123, %dma_wait3A_195] : memref<2x80xi32, #tpu.memory_space<vmem>> -> memref<1x80xi32, #tpu.memory_space<vmem>>
        %dma_wait3A_197 = tpu.memref_squeeze %dma_wait3A_196 : memref<1x80xi32, #tpu.memory_space<vmem>> -> memref<80xi32, #tpu.memory_space<vmem>>
        %dma_wait3A_198 = arith.constant 0 : i32
        %dma_wait3A_199 = tpu.memref_slice %arg17[%dma_wait3A_198] : memref<10240xf32, #tpu.memory_space<vmem_shared>> -> memref<10240xf32, #tpu.memory_space<vmem_shared>>
        tpu.wait_indirect_dma semaphore(%run_scoped3A_189 : memref<!tpu.dma_semaphore, #tpu.memory_space<semaphore_mem>>) src(%arg12 : memref<80xf32, #tpu.memory_space<vmem>>) dst(%dma_wait3A_199 : memref<10240xf32, #tpu.memory_space<vmem_shared>>)
        tpu.yield
      }) : () -> ()
      %add3A_124 = arith.constant 2 : i32
      %add3A_125 = arith.addi %mul3A_100, %add3A_124 : i32
      %mul3A_126 = arith.constant 80 : i32
      %mul3A_127 = arith.muli %add3A_125, %mul3A_126 : i32
      %add3A_128 = arith.addi %multiple_of3A, %mul3A_127 : i32
      %multiple_of3A_129 = tpu.assume_multiple %add3A_128, 8 : i32
      %dma_start3A_130 = arith.constant 0 : i32
      %dma_start3A_131 = arith.constant 0 : i32
      %dma_start3A_132 = tpu.memref_slice %arg9[%dma_start3A_130, %dma_start3A_131] : memref<2x80xi32, #tpu.memory_space<vmem>> -> memref<1x80xi32, #tpu.memory_space<vmem>>
      %dma_start3A_133 = tpu.memref_squeeze %dma_start3A_132 : memref<1x80xi32, #tpu.memory_space<vmem>> -> memref<80xi32, #tpu.memory_space<vmem>>
      %dma_start3A_134 = tpu.memref_slice %arg4[%multiple_of3A_129] : memref<320080xi32, #tpu.memory_space<hbm>> -> memref<80xi32, #tpu.memory_space<hbm>>
      %dma_start3A_135 = arith.constant 0 : i32
      %dma_start3A_136 = tpu.memref_slice %arg9[%dma_start3A_130, %dma_start3A_135] : memref<2x80xi32, #tpu.memory_space<vmem>> -> memref<1x80xi32, #tpu.memory_space<vmem>>
      %dma_start3A_137 = tpu.memref_squeeze %dma_start3A_136 : memref<1x80xi32, #tpu.memory_space<vmem>> -> memref<80xi32, #tpu.memory_space<vmem>>
      %dma_start3A_138 = tpu.memref_slice %arg4[%multiple_of3A_129] : memref<320080xi32, #tpu.memory_space<hbm>> -> memref<80xi32, #tpu.memory_space<hbm>>
      tpu.enqueue_dma source(%dma_start3A_138 : memref<80xi32, #tpu.memory_space<hbm>>) target(%dma_start3A_137 : memref<80xi32, #tpu.memory_space<vmem>>) target_semaphore(%arg18 : memref<!tpu.dma_semaphore, #tpu.memory_space<semaphore_mem>>)
      %dma_start3A_139 = arith.constant 0 : i32
      %dma_start3A_140 = tpu.memref_slice %arg2[%multiple_of3A_129, %dma_start3A_139] : memref<320080x128xf32, #tpu.memory_space<hbm>> -> memref<80x128xf32, #tpu.memory_space<hbm>>
      %dma_start3A_141 = arith.constant 0 : i32
      %dma_start3A_142 = tpu.memref_slice %arg2[%multiple_of3A_129, %dma_start3A_141] : memref<320080x128xf32, #tpu.memory_space<hbm>> -> memref<80x128xf32, #tpu.memory_space<hbm>>
      tpu.enqueue_dma source(%dma_start3A_142 : memref<80x128xf32, #tpu.memory_space<hbm>>) target(%arg10 : memref<80x128xf32, #tpu.memory_space<vmem>>) target_semaphore(%arg18 : memref<!tpu.dma_semaphore, #tpu.memory_space<semaphore_mem>>)
      %dma_start3A_143 = tpu.memref_slice %arg3[%multiple_of3A_129] : memref<320080xf32, #tpu.memory_space<hbm>> -> memref<80xf32, #tpu.memory_space<hbm>>
      %dma_start3A_144 = tpu.memref_slice %arg3[%multiple_of3A_129] : memref<320080xf32, #tpu.memory_space<hbm>> -> memref<80xf32, #tpu.memory_space<hbm>>
      tpu.enqueue_dma source(%dma_start3A_144 : memref<80xf32, #tpu.memory_space<hbm>>) target(%arg12 : memref<80xf32, #tpu.memory_space<vmem>>) target_semaphore(%arg18 : memref<!tpu.dma_semaphore, #tpu.memory_space<semaphore_mem>>)
      %dma_wait3A_145 = arith.constant 1 : i32
      %dma_wait3A_146 = arith.constant 0 : i32
      %dma_wait3A_147 = tpu.memref_slice %arg9[%dma_wait3A_145, %dma_wait3A_146] : memref<2x80xi32, #tpu.memory_space<vmem>> -> memref<1x80xi32, #tpu.memory_space<vmem>>
      %dma_wait3A_148 = tpu.memref_squeeze %dma_wait3A_147 : memref<1x80xi32, #tpu.memory_space<vmem>> -> memref<80xi32, #tpu.memory_space<vmem>>
      %dma_wait3A_149 = arith.constant 0 : i32
      %dma_wait3A_150 = tpu.memref_slice %arg4[%dma_wait3A_149] : memref<320080xi32, #tpu.memory_space<hbm>> -> memref<80xi32, #tpu.memory_space<hbm>>
      %dma_wait3A_151 = arith.constant 0 : i32
      %dma_wait3A_152 = tpu.memref_slice %arg9[%dma_wait3A_145, %dma_wait3A_151] : memref<2x80xi32, #tpu.memory_space<vmem>> -> memref<1x80xi32, #tpu.memory_space<vmem>>
      %dma_wait3A_153 = tpu.memref_squeeze %dma_wait3A_152 : memref<1x80xi32, #tpu.memory_space<vmem>> -> memref<80xi32, #tpu.memory_space<vmem>>
      %dma_wait3A_154 = arith.constant 0 : i32
      %dma_wait3A_155 = tpu.memref_slice %arg4[%dma_wait3A_154] : memref<320080xi32, #tpu.memory_space<hbm>> -> memref<80xi32, #tpu.memory_space<hbm>>
      tpu.wait_dma2 semaphore(%arg19 : memref<!tpu.dma_semaphore, #tpu.memory_space<semaphore_mem>>) src(%dma_wait3A_155 : memref<80xi32, #tpu.memory_space<hbm>>) dst(%dma_wait3A_153 : memref<80xi32, #tpu.memory_space<vmem>>)
      %dma_wait3A_156 = arith.constant 0 : i32
      %dma_wait3A_157 = arith.constant 0 : i32
      %dma_wait3A_158 = tpu.memref_slice %arg2[%dma_wait3A_156, %dma_wait3A_157] : memref<320080x128xf32, #tpu.memory_space<hbm>> -> memref<80x128xf32, #tpu.memory_space<hbm>>
      %dma_wait3A_159 = arith.constant 0 : i32
      %dma_wait3A_160 = arith.constant 0 : i32
      %dma_wait3A_161 = tpu.memref_slice %arg2[%dma_wait3A_159, %dma_wait3A_160] : memref<320080x128xf32, #tpu.memory_space<hbm>> -> memref<80x128xf32, #tpu.memory_space<hbm>>
      tpu.wait_dma2 semaphore(%arg19 : memref<!tpu.dma_semaphore, #tpu.memory_space<semaphore_mem>>) src(%dma_wait3A_161 : memref<80x128xf32, #tpu.memory_space<hbm>>) dst(%arg11 : memref<80x128xf32, #tpu.memory_space<vmem>>)
      %dma_wait3A_162 = arith.constant 0 : i32
      %dma_wait3A_163 = tpu.memref_slice %arg3[%dma_wait3A_162] : memref<320080xf32, #tpu.memory_space<hbm>> -> memref<80xf32, #tpu.memory_space<hbm>>
      %dma_wait3A_164 = arith.constant 0 : i32
      %dma_wait3A_165 = tpu.memref_slice %arg3[%dma_wait3A_164] : memref<320080xf32, #tpu.memory_space<hbm>> -> memref<80xf32, #tpu.memory_space<hbm>>
      tpu.wait_dma2 semaphore(%arg19 : memref<!tpu.dma_semaphore, #tpu.memory_space<semaphore_mem>>) src(%dma_wait3A_165 : memref<80xf32, #tpu.memory_space<hbm>>) dst(%arg13 : memref<80xf32, #tpu.memory_space<vmem>>)
      %run_scoped3A_166 = arith.constant 1 : i32
      "tpu.region"() ({
        %run_scoped3A_189 = tpu.sem_alloc : memref<!tpu.dma_semaphore, #tpu.memory_space<semaphore_mem>>
        %dma_start3A_190 = arith.constant 0 : i32
        %dma_start3A_191 = tpu.memref_slice %arg9[%run_scoped3A_166, %dma_start3A_190] : memref<2x80xi32, #tpu.memory_space<vmem>> -> memref<1x80xi32, #tpu.memory_space<vmem>>
        %dma_start3A_192 = tpu.memref_squeeze %dma_start3A_191 : memref<1x80xi32, #tpu.memory_space<vmem>> -> memref<80xi32, #tpu.memory_space<vmem>>
        %dma_start3A_193 = arith.constant 0 : i32
        %dma_start3A_194 = arith.constant 0 : i32
        %dma_start3A_195 = tpu.memref_slice %arg16[%dma_start3A_193, %dma_start3A_194] : memref<10240x128xf32, #tpu.memory_space<vmem_shared>> -> memref<10240x128xf32, #tpu.memory_space<vmem_shared>>
        tpu.enqueue_indirect_dma source(%arg11 : memref<80x128xf32, #tpu.memory_space<vmem>>) target(%dma_start3A_195 : memref<10240x128xf32, #tpu.memory_space<vmem_shared>>) offsets(%dma_start3A_192 : memref<80xi32, #tpu.memory_space<vmem>>) semaphore(%run_scoped3A_189 : memref<!tpu.dma_semaphore, #tpu.memory_space<semaphore_mem>>) {add = true}
        %dma_wait3A_196 = arith.constant 0 : i32
        %dma_wait3A_197 = tpu.memref_slice %arg9[%run_scoped3A_166, %dma_wait3A_196] : memref<2x80xi32, #tpu.memory_space<vmem>> -> memref<1x80xi32, #tpu.memory_space<vmem>>
        %dma_wait3A_198 = tpu.memref_squeeze %dma_wait3A_197 : memref<1x80xi32, #tpu.memory_space<vmem>> -> memref<80xi32, #tpu.memory_space<vmem>>
        %dma_wait3A_199 = arith.constant 0 : i32
        %dma_wait3A_200 = arith.constant 0 : i32
        %dma_wait3A_201 = tpu.memref_slice %arg16[%dma_wait3A_199, %dma_wait3A_200] : memref<10240x128xf32, #tpu.memory_space<vmem_shared>> -> memref<10240x128xf32, #tpu.memory_space<vmem_shared>>
        tpu.wait_indirect_dma semaphore(%run_scoped3A_189 : memref<!tpu.dma_semaphore, #tpu.memory_space<semaphore_mem>>) src(%arg11 : memref<80x128xf32, #tpu.memory_space<vmem>>) dst(%dma_wait3A_201 : memref<10240x128xf32, #tpu.memory_space<vmem_shared>>)
        tpu.yield
      }) : () -> ()
      %run_scoped3A_167 = arith.constant 1 : i32
      "tpu.region"() ({
        %run_scoped3A_189 = tpu.sem_alloc : memref<!tpu.dma_semaphore, #tpu.memory_space<semaphore_mem>>
        %dma_start3A_190 = arith.constant 0 : i32
        %dma_start3A_191 = tpu.memref_slice %arg9[%run_scoped3A_167, %dma_start3A_190] : memref<2x80xi32, #tpu.memory_space<vmem>> -> memref<1x80xi32, #tpu.memory_space<vmem>>
        %dma_start3A_192 = tpu.memref_squeeze %dma_start3A_191 : memref<1x80xi32, #tpu.memory_space<vmem>> -> memref<80xi32, #tpu.memory_space<vmem>>
        %dma_start3A_193 = arith.constant 0 : i32
        %dma_start3A_194 = tpu.memref_slice %arg17[%dma_start3A_193] : memref<10240xf32, #tpu.memory_space<vmem_shared>> -> memref<10240xf32, #tpu.memory_space<vmem_shared>>
        tpu.enqueue_indirect_dma source(%arg13 : memref<80xf32, #tpu.memory_space<vmem>>) target(%dma_start3A_194 : memref<10240xf32, #tpu.memory_space<vmem_shared>>) offsets(%dma_start3A_192 : memref<80xi32, #tpu.memory_space<vmem>>) semaphore(%run_scoped3A_189 : memref<!tpu.dma_semaphore, #tpu.memory_space<semaphore_mem>>) {add = true}
        %dma_wait3A_195 = arith.constant 0 : i32
        %dma_wait3A_196 = tpu.memref_slice %arg9[%run_scoped3A_167, %dma_wait3A_195] : memref<2x80xi32, #tpu.memory_space<vmem>> -> memref<1x80xi32, #tpu.memory_space<vmem>>
        %dma_wait3A_197 = tpu.memref_squeeze %dma_wait3A_196 : memref<1x80xi32, #tpu.memory_space<vmem>> -> memref<80xi32, #tpu.memory_space<vmem>>
        %dma_wait3A_198 = arith.constant 0 : i32
        %dma_wait3A_199 = tpu.memref_slice %arg17[%dma_wait3A_198] : memref<10240xf32, #tpu.memory_space<vmem_shared>> -> memref<10240xf32, #tpu.memory_space<vmem_shared>>
        tpu.wait_indirect_dma semaphore(%run_scoped3A_189 : memref<!tpu.dma_semaphore, #tpu.memory_space<semaphore_mem>>) src(%arg13 : memref<80xf32, #tpu.memory_space<vmem>>) dst(%dma_wait3A_199 : memref<10240xf32, #tpu.memory_space<vmem_shared>>)
        tpu.yield
      }) : () -> ()
      %add3A_168 = arith.constant 3 : i32
      %add3A_169 = arith.addi %mul3A_100, %add3A_168 : i32
      %mul3A_170 = arith.constant 80 : i32
      %mul3A_171 = arith.muli %add3A_169, %mul3A_170 : i32
      %add3A_172 = arith.addi %multiple_of3A, %mul3A_171 : i32
      %multiple_of3A_173 = tpu.assume_multiple %add3A_172, 8 : i32
      %dma_start3A_174 = arith.constant 1 : i32
      %dma_start3A_175 = arith.constant 0 : i32
      %dma_start3A_176 = tpu.memref_slice %arg9[%dma_start3A_174, %dma_start3A_175] : memref<2x80xi32, #tpu.memory_space<vmem>> -> memref<1x80xi32, #tpu.memory_space<vmem>>
      %dma_start3A_177 = tpu.memref_squeeze %dma_start3A_176 : memref<1x80xi32, #tpu.memory_space<vmem>> -> memref<80xi32, #tpu.memory_space<vmem>>
      %dma_start3A_178 = tpu.memref_slice %arg4[%multiple_of3A_173] : memref<320080xi32, #tpu.memory_space<hbm>> -> memref<80xi32, #tpu.memory_space<hbm>>
      %dma_start3A_179 = arith.constant 0 : i32
      %dma_start3A_180 = tpu.memref_slice %arg9[%dma_start3A_174, %dma_start3A_179] : memref<2x80xi32, #tpu.memory_space<vmem>> -> memref<1x80xi32, #tpu.memory_space<vmem>>
      %dma_start3A_181 = tpu.memref_squeeze %dma_start3A_180 : memref<1x80xi32, #tpu.memory_space<vmem>> -> memref<80xi32, #tpu.memory_space<vmem>>
      %dma_start3A_182 = tpu.memref_slice %arg4[%multiple_of3A_173] : memref<320080xi32, #tpu.memory_space<hbm>> -> memref<80xi32, #tpu.memory_space<hbm>>
      tpu.enqueue_dma source(%dma_start3A_182 : memref<80xi32, #tpu.memory_space<hbm>>) target(%dma_start3A_181 : memref<80xi32, #tpu.memory_space<vmem>>) target_semaphore(%arg19 : memref<!tpu.dma_semaphore, #tpu.memory_space<semaphore_mem>>)
      %dma_start3A_183 = arith.constant 0 : i32
      %dma_start3A_184 = tpu.memref_slice %arg2[%multiple_of3A_173, %dma_start3A_183] : memref<320080x128xf32, #tpu.memory_space<hbm>> -> memref<80x128xf32, #tpu.memory_space<hbm>>
      %dma_start3A_185 = arith.constant 0 : i32
      %dma_start3A_186 = tpu.memref_slice %arg2[%multiple_of3A_173, %dma_start3A_185] : memref<320080x128xf32, #tpu.memory_space<hbm>> -> memref<80x128xf32, #tpu.memory_space<hbm>>
      tpu.enqueue_dma source(%dma_start3A_186 : memref<80x128xf32, #tpu.memory_space<hbm>>) target(%arg11 : memref<80x128xf32, #tpu.memory_space<vmem>>) target_semaphore(%arg19 : memref<!tpu.dma_semaphore, #tpu.memory_space<semaphore_mem>>)
      %dma_start3A_187 = tpu.memref_slice %arg3[%multiple_of3A_173] : memref<320080xf32, #tpu.memory_space<hbm>> -> memref<80xf32, #tpu.memory_space<hbm>>
      %dma_start3A_188 = tpu.memref_slice %arg3[%multiple_of3A_173] : memref<320080xf32, #tpu.memory_space<hbm>> -> memref<80xf32, #tpu.memory_space<hbm>>
      tpu.enqueue_dma source(%dma_start3A_188 : memref<80xf32, #tpu.memory_space<hbm>>) target(%arg13 : memref<80xf32, #tpu.memory_space<vmem>>) target_semaphore(%arg19 : memref<!tpu.dma_semaphore, #tpu.memory_space<semaphore_mem>>)
    }
    %scan3A_48 = arith.constant 62 : i32
    %dma_wait3A = arith.constant 0 : i32
    %dma_wait3A_49 = arith.constant 0 : i32
    %dma_wait3A_50 = tpu.memref_slice %arg9[%dma_wait3A, %dma_wait3A_49] : memref<2x80xi32, #tpu.memory_space<vmem>> -> memref<1x80xi32, #tpu.memory_space<vmem>>
    %dma_wait3A_51 = tpu.memref_squeeze %dma_wait3A_50 : memref<1x80xi32, #tpu.memory_space<vmem>> -> memref<80xi32, #tpu.memory_space<vmem>>
    %dma_wait3A_52 = arith.constant 0 : i32
    %dma_wait3A_53 = tpu.memref_slice %arg4[%dma_wait3A_52] : memref<320080xi32, #tpu.memory_space<hbm>> -> memref<80xi32, #tpu.memory_space<hbm>>
    %dma_wait3A_54 = arith.constant 0 : i32
    %dma_wait3A_55 = tpu.memref_slice %arg9[%dma_wait3A, %dma_wait3A_54] : memref<2x80xi32, #tpu.memory_space<vmem>> -> memref<1x80xi32, #tpu.memory_space<vmem>>
    %dma_wait3A_56 = tpu.memref_squeeze %dma_wait3A_55 : memref<1x80xi32, #tpu.memory_space<vmem>> -> memref<80xi32, #tpu.memory_space<vmem>>
    %dma_wait3A_57 = arith.constant 0 : i32
    %dma_wait3A_58 = tpu.memref_slice %arg4[%dma_wait3A_57] : memref<320080xi32, #tpu.memory_space<hbm>> -> memref<80xi32, #tpu.memory_space<hbm>>
    tpu.wait_dma2 semaphore(%arg18 : memref<!tpu.dma_semaphore, #tpu.memory_space<semaphore_mem>>) src(%dma_wait3A_58 : memref<80xi32, #tpu.memory_space<hbm>>) dst(%dma_wait3A_56 : memref<80xi32, #tpu.memory_space<vmem>>)
    %dma_wait3A_59 = arith.constant 0 : i32
    %dma_wait3A_60 = arith.constant 0 : i32
    %dma_wait3A_61 = tpu.memref_slice %arg2[%dma_wait3A_59, %dma_wait3A_60] : memref<320080x128xf32, #tpu.memory_space<hbm>> -> memref<80x128xf32, #tpu.memory_space<hbm>>
    %dma_wait3A_62 = arith.constant 0 : i32
    %dma_wait3A_63 = arith.constant 0 : i32
    %dma_wait3A_64 = tpu.memref_slice %arg2[%dma_wait3A_62, %dma_wait3A_63] : memref<320080x128xf32, #tpu.memory_space<hbm>> -> memref<80x128xf32, #tpu.memory_space<hbm>>
    tpu.wait_dma2 semaphore(%arg18 : memref<!tpu.dma_semaphore, #tpu.memory_space<semaphore_mem>>) src(%dma_wait3A_64 : memref<80x128xf32, #tpu.memory_space<hbm>>) dst(%arg10 : memref<80x128xf32, #tpu.memory_space<vmem>>)
    %dma_wait3A_65 = arith.constant 0 : i32
    %dma_wait3A_66 = tpu.memref_slice %arg3[%dma_wait3A_65] : memref<320080xf32, #tpu.memory_space<hbm>> -> memref<80xf32, #tpu.memory_space<hbm>>
    %dma_wait3A_67 = arith.constant 0 : i32
    %dma_wait3A_68 = tpu.memref_slice %arg3[%dma_wait3A_67] : memref<320080xf32, #tpu.memory_space<hbm>> -> memref<80xf32, #tpu.memory_space<hbm>>
    tpu.wait_dma2 semaphore(%arg18 : memref<!tpu.dma_semaphore, #tpu.memory_space<semaphore_mem>>) src(%dma_wait3A_68 : memref<80xf32, #tpu.memory_space<hbm>>) dst(%arg12 : memref<80xf32, #tpu.memory_space<vmem>>)
    %run_scoped3A = arith.constant 0 : i32
    "tpu.region"() ({
      %run_scoped3A_98 = tpu.sem_alloc : memref<!tpu.dma_semaphore, #tpu.memory_space<semaphore_mem>>
      %dma_start3A_99 = arith.constant 0 : i32
      %dma_start3A_100 = tpu.memref_slice %arg9[%run_scoped3A, %dma_start3A_99] : memref<2x80xi32, #tpu.memory_space<vmem>> -> memref<1x80xi32, #tpu.memory_space<vmem>>
      %dma_start3A_101 = tpu.memref_squeeze %dma_start3A_100 : memref<1x80xi32, #tpu.memory_space<vmem>> -> memref<80xi32, #tpu.memory_space<vmem>>
      %dma_start3A_102 = arith.constant 0 : i32
      %dma_start3A_103 = arith.constant 0 : i32
      %dma_start3A_104 = tpu.memref_slice %arg16[%dma_start3A_102, %dma_start3A_103] : memref<10240x128xf32, #tpu.memory_space<vmem_shared>> -> memref<10240x128xf32, #tpu.memory_space<vmem_shared>>
      tpu.enqueue_indirect_dma source(%arg10 : memref<80x128xf32, #tpu.memory_space<vmem>>) target(%dma_start3A_104 : memref<10240x128xf32, #tpu.memory_space<vmem_shared>>) offsets(%dma_start3A_101 : memref<80xi32, #tpu.memory_space<vmem>>) semaphore(%run_scoped3A_98 : memref<!tpu.dma_semaphore, #tpu.memory_space<semaphore_mem>>) {add = true}
      %dma_wait3A_105 = arith.constant 0 : i32
      %dma_wait3A_106 = tpu.memref_slice %arg9[%run_scoped3A, %dma_wait3A_105] : memref<2x80xi32, #tpu.memory_space<vmem>> -> memref<1x80xi32, #tpu.memory_space<vmem>>
      %dma_wait3A_107 = tpu.memref_squeeze %dma_wait3A_106 : memref<1x80xi32, #tpu.memory_space<vmem>> -> memref<80xi32, #tpu.memory_space<vmem>>
      %dma_wait3A_108 = arith.constant 0 : i32
      %dma_wait3A_109 = arith.constant 0 : i32
      %dma_wait3A_110 = tpu.memref_slice %arg16[%dma_wait3A_108, %dma_wait3A_109] : memref<10240x128xf32, #tpu.memory_space<vmem_shared>> -> memref<10240x128xf32, #tpu.memory_space<vmem_shared>>
      tpu.wait_indirect_dma semaphore(%run_scoped3A_98 : memref<!tpu.dma_semaphore, #tpu.memory_space<semaphore_mem>>) src(%arg10 : memref<80x128xf32, #tpu.memory_space<vmem>>) dst(%dma_wait3A_110 : memref<10240x128xf32, #tpu.memory_space<vmem_shared>>)
      tpu.yield
    }) : () -> ()
    %run_scoped3A_69 = arith.constant 0 : i32
    "tpu.region"() ({
      %run_scoped3A_98 = tpu.sem_alloc : memref<!tpu.dma_semaphore, #tpu.memory_space<semaphore_mem>>
      %dma_start3A_99 = arith.constant 0 : i32
      %dma_start3A_100 = tpu.memref_slice %arg9[%run_scoped3A_69, %dma_start3A_99] : memref<2x80xi32, #tpu.memory_space<vmem>> -> memref<1x80xi32, #tpu.memory_space<vmem>>
      %dma_start3A_101 = tpu.memref_squeeze %dma_start3A_100 : memref<1x80xi32, #tpu.memory_space<vmem>> -> memref<80xi32, #tpu.memory_space<vmem>>
      %dma_start3A_102 = arith.constant 0 : i32
      %dma_start3A_103 = tpu.memref_slice %arg17[%dma_start3A_102] : memref<10240xf32, #tpu.memory_space<vmem_shared>> -> memref<10240xf32, #tpu.memory_space<vmem_shared>>
      tpu.enqueue_indirect_dma source(%arg12 : memref<80xf32, #tpu.memory_space<vmem>>) target(%dma_start3A_103 : memref<10240xf32, #tpu.memory_space<vmem_shared>>) offsets(%dma_start3A_101 : memref<80xi32, #tpu.memory_space<vmem>>) semaphore(%run_scoped3A_98 : memref<!tpu.dma_semaphore, #tpu.memory_space<semaphore_mem>>) {add = true}
      %dma_wait3A_104 = arith.constant 0 : i32
      %dma_wait3A_105 = tpu.memref_slice %arg9[%run_scoped3A_69, %dma_wait3A_104] : memref<2x80xi32, #tpu.memory_space<vmem>> -> memref<1x80xi32, #tpu.memory_space<vmem>>
      %dma_wait3A_106 = tpu.memref_squeeze %dma_wait3A_105 : memref<1x80xi32, #tpu.memory_space<vmem>> -> memref<80xi32, #tpu.memory_space<vmem>>
      %dma_wait3A_107 = arith.constant 0 : i32
      %dma_wait3A_108 = tpu.memref_slice %arg17[%dma_wait3A_107] : memref<10240xf32, #tpu.memory_space<vmem_shared>> -> memref<10240xf32, #tpu.memory_space<vmem_shared>>
      tpu.wait_indirect_dma semaphore(%run_scoped3A_98 : memref<!tpu.dma_semaphore, #tpu.memory_space<semaphore_mem>>) src(%arg12 : memref<80xf32, #tpu.memory_space<vmem>>) dst(%dma_wait3A_108 : memref<10240xf32, #tpu.memory_space<vmem_shared>>)
      tpu.yield
    }) : () -> ()
    %dma_wait3A_70 = arith.constant 1 : i32
    %dma_wait3A_71 = arith.constant 0 : i32
    %dma_wait3A_72 = tpu.memref_slice %arg9[%dma_wait3A_70, %dma_wait3A_71] : memref<2x80xi32, #tpu.memory_space<vmem>> -> memref<1x80xi32, #tpu.memory_space<vmem>>
    %dma_wait3A_73 = tpu.memref_squeeze %dma_wait3A_72 : memref<1x80xi32, #tpu.memory_space<vmem>> -> memref<80xi32, #tpu.memory_space<vmem>>
    %dma_wait3A_74 = arith.constant 0 : i32
    %dma_wait3A_75 = tpu.memref_slice %arg4[%dma_wait3A_74] : memref<320080xi32, #tpu.memory_space<hbm>> -> memref<80xi32, #tpu.memory_space<hbm>>
    %dma_wait3A_76 = arith.constant 0 : i32
    %dma_wait3A_77 = tpu.memref_slice %arg9[%dma_wait3A_70, %dma_wait3A_76] : memref<2x80xi32, #tpu.memory_space<vmem>> -> memref<1x80xi32, #tpu.memory_space<vmem>>
    %dma_wait3A_78 = tpu.memref_squeeze %dma_wait3A_77 : memref<1x80xi32, #tpu.memory_space<vmem>> -> memref<80xi32, #tpu.memory_space<vmem>>
    %dma_wait3A_79 = arith.constant 0 : i32
    %dma_wait3A_80 = tpu.memref_slice %arg4[%dma_wait3A_79] : memref<320080xi32, #tpu.memory_space<hbm>> -> memref<80xi32, #tpu.memory_space<hbm>>
    tpu.wait_dma2 semaphore(%arg19 : memref<!tpu.dma_semaphore, #tpu.memory_space<semaphore_mem>>) src(%dma_wait3A_80 : memref<80xi32, #tpu.memory_space<hbm>>) dst(%dma_wait3A_78 : memref<80xi32, #tpu.memory_space<vmem>>)
    %dma_wait3A_81 = arith.constant 0 : i32
    %dma_wait3A_82 = arith.constant 0 : i32
    %dma_wait3A_83 = tpu.memref_slice %arg2[%dma_wait3A_81, %dma_wait3A_82] : memref<320080x128xf32, #tpu.memory_space<hbm>> -> memref<80x128xf32, #tpu.memory_space<hbm>>
    %dma_wait3A_84 = arith.constant 0 : i32
    %dma_wait3A_85 = arith.constant 0 : i32
    %dma_wait3A_86 = tpu.memref_slice %arg2[%dma_wait3A_84, %dma_wait3A_85] : memref<320080x128xf32, #tpu.memory_space<hbm>> -> memref<80x128xf32, #tpu.memory_space<hbm>>
    tpu.wait_dma2 semaphore(%arg19 : memref<!tpu.dma_semaphore, #tpu.memory_space<semaphore_mem>>) src(%dma_wait3A_86 : memref<80x128xf32, #tpu.memory_space<hbm>>) dst(%arg11 : memref<80x128xf32, #tpu.memory_space<vmem>>)
    %dma_wait3A_87 = arith.constant 0 : i32
    %dma_wait3A_88 = tpu.memref_slice %arg3[%dma_wait3A_87] : memref<320080xf32, #tpu.memory_space<hbm>> -> memref<80xf32, #tpu.memory_space<hbm>>
    %dma_wait3A_89 = arith.constant 0 : i32
    %dma_wait3A_90 = tpu.memref_slice %arg3[%dma_wait3A_89] : memref<320080xf32, #tpu.memory_space<hbm>> -> memref<80xf32, #tpu.memory_space<hbm>>
    tpu.wait_dma2 semaphore(%arg19 : memref<!tpu.dma_semaphore, #tpu.memory_space<semaphore_mem>>) src(%dma_wait3A_90 : memref<80xf32, #tpu.memory_space<hbm>>) dst(%arg13 : memref<80xf32, #tpu.memory_space<vmem>>)
    %barrier3A_91 = arith.constant 0 : index
    tpu.barrier barrier_id(%barrier3A_91)
    %scan3A_92 = arith.constant 0 : i32
    %scan3A_93 = arith.constant 0 : i32
    %scan3A_94 = arith.constant 16 : i32
    %scan3A_95 = arith.addi %scan3A_93, %scan3A_94 : i32
    %scan3A_96 = arith.constant 1 : i32
    scf.for %scan3A_98 = %scan3A_93 to %scan3A_95 step %scan3A_96  : i32 {
      %mul3A_99 = arith.constant 640 : i32
      %mul3A_100 = arith.muli %arg1, %mul3A_99 : i32
      %mul3A_101 = arith.constant 40 : i32
      %mul3A_102 = arith.muli %scan3A_98, %mul3A_101 : i32
      %add3A_103 = arith.addi %mul3A_100, %mul3A_102 : i32
      %multiple_of3A_104 = tpu.assume_multiple %add3A_103, 8 : i32
      %mul3A_105 = arith.constant 10240 : i32
      %mul3A_106 = arith.muli %arg0, %mul3A_105 : i32
      %mul3A_107 = arith.constant 640 : i32
      %mul3A_108 = arith.muli %arg1, %mul3A_107 : i32
      %add3A_109 = arith.addi %mul3A_106, %mul3A_108 : i32
      %mul3A_110 = arith.constant 40 : i32
      %mul3A_111 = arith.muli %scan3A_98, %mul3A_110 : i32
      %add3A_112 = arith.addi %add3A_109, %mul3A_111 : i32
      %multiple_of3A_113 = tpu.assume_multiple %add3A_112, 8 : i32
      "tpu.region"() ({
        %run_scoped3A_114 = tpu.sem_alloc : memref<!tpu.dma_semaphore, #tpu.memory_space<semaphore_mem>>
        %dma_start3A_115 = arith.constant 0 : i32
        %dma_start3A_116 = tpu.memref_slice %arg16[%multiple_of3A_104, %dma_start3A_115] : memref<10240x128xf32, #tpu.memory_space<vmem_shared>> -> memref<40x128xf32, #tpu.memory_space<vmem_shared>>
        %dma_start3A_117 = arith.constant 0 : i32
        %dma_start3A_118 = tpu.memref_slice %arg16[%multiple_of3A_104, %dma_start3A_117] : memref<10240x128xf32, #tpu.memory_space<vmem_shared>> -> memref<40x128xf32, #tpu.memory_space<vmem_shared>>
        tpu.enqueue_dma source(%dma_start3A_118 : memref<40x128xf32, #tpu.memory_space<vmem_shared>>) target(%arg14 : memref<40x128xf32, #tpu.memory_space<vmem>>) target_semaphore(%run_scoped3A_114 : memref<!tpu.dma_semaphore, #tpu.memory_space<semaphore_mem>>)
        %dma_wait3A_119 = arith.constant 0 : i32
        %dma_wait3A_120 = tpu.memref_slice %arg16[%multiple_of3A_104, %dma_wait3A_119] : memref<10240x128xf32, #tpu.memory_space<vmem_shared>> -> memref<40x128xf32, #tpu.memory_space<vmem_shared>>
        %dma_wait3A_121 = arith.constant 0 : i32
        %dma_wait3A_122 = tpu.memref_slice %arg16[%multiple_of3A_104, %dma_wait3A_121] : memref<10240x128xf32, #tpu.memory_space<vmem_shared>> -> memref<40x128xf32, #tpu.memory_space<vmem_shared>>
        tpu.wait_dma2 semaphore(%run_scoped3A_114 : memref<!tpu.dma_semaphore, #tpu.memory_space<semaphore_mem>>) src(%dma_wait3A_122 : memref<40x128xf32, #tpu.memory_space<vmem_shared>>) dst(%arg14 : memref<40x128xf32, #tpu.memory_space<vmem>>)
        tpu.yield
      }) : () -> ()
      "tpu.region"() ({
        %run_scoped3A_114 = tpu.sem_alloc : memref<!tpu.dma_semaphore, #tpu.memory_space<semaphore_mem>>
        %dma_start3A_115 = arith.constant 0 : i32
        %dma_start3A_116 = tpu.memref_slice %arg7[%multiple_of3A_113, %dma_start3A_115] : memref<20480x128xf32, #tpu.memory_space<hbm>> -> memref<40x128xf32, #tpu.memory_space<hbm>>
        %dma_start3A_117 = arith.constant 0 : i32
        %dma_start3A_118 = tpu.memref_slice %arg7[%multiple_of3A_113, %dma_start3A_117] : memref<20480x128xf32, #tpu.memory_space<hbm>> -> memref<40x128xf32, #tpu.memory_space<hbm>>
        tpu.enqueue_dma source(%arg14 : memref<40x128xf32, #tpu.memory_space<vmem>>) target(%dma_start3A_118 : memref<40x128xf32, #tpu.memory_space<hbm>>) target_semaphore(%run_scoped3A_114 : memref<!tpu.dma_semaphore, #tpu.memory_space<semaphore_mem>>)
        %dma_wait3A_119 = arith.constant 0 : i32
        %dma_wait3A_120 = tpu.memref_slice %arg7[%multiple_of3A_113, %dma_wait3A_119] : memref<20480x128xf32, #tpu.memory_space<hbm>> -> memref<40x128xf32, #tpu.memory_space<hbm>>
        %dma_wait3A_121 = arith.constant 0 : i32
        %dma_wait3A_122 = tpu.memref_slice %arg7[%multiple_of3A_113, %dma_wait3A_121] : memref<20480x128xf32, #tpu.memory_space<hbm>> -> memref<40x128xf32, #tpu.memory_space<hbm>>
        tpu.wait_dma2 semaphore(%run_scoped3A_114 : memref<!tpu.dma_semaphore, #tpu.memory_space<semaphore_mem>>) src(%arg14 : memref<40x128xf32, #tpu.memory_space<vmem>>) dst(%dma_wait3A_122 : memref<40x128xf32, #tpu.memory_space<hbm>>)
        tpu.yield
      }) : () -> ()
      "tpu.region"() ({
        %run_scoped3A_114 = tpu.sem_alloc : memref<!tpu.dma_semaphore, #tpu.memory_space<semaphore_mem>>
        %dma_start3A_115 = tpu.memref_slice %arg17[%multiple_of3A_104] : memref<10240xf32, #tpu.memory_space<vmem_shared>> -> memref<40xf32, #tpu.memory_space<vmem_shared>>
        %dma_start3A_116 = tpu.memref_slice %arg17[%multiple_of3A_104] : memref<10240xf32, #tpu.memory_space<vmem_shared>> -> memref<40xf32, #tpu.memory_space<vmem_shared>>
        tpu.enqueue_dma source(%dma_start3A_116 : memref<40xf32, #tpu.memory_space<vmem_shared>>) target(%arg15 : memref<40xf32, #tpu.memory_space<vmem>>) target_semaphore(%run_scoped3A_114 : memref<!tpu.dma_semaphore, #tpu.memory_space<semaphore_mem>>)
        %dma_wait3A_117 = tpu.memref_slice %arg17[%multiple_of3A_104] : memref<10240xf32, #tpu.memory_space<vmem_shared>> -> memref<40xf32, #tpu.memory_space<vmem_shared>>
        %dma_wait3A_118 = tpu.memref_slice %arg17[%multiple_of3A_104] : memref<10240xf32, #tpu.memory_space<vmem_shared>> -> memref<40xf32, #tpu.memory_space<vmem_shared>>
        tpu.wait_dma2 semaphore(%run_scoped3A_114 : memref<!tpu.dma_semaphore, #tpu.memory_space<semaphore_mem>>) src(%dma_wait3A_118 : memref<40xf32, #tpu.memory_space<vmem_shared>>) dst(%arg15 : memref<40xf32, #tpu.memory_space<vmem>>)
        tpu.yield
      }) : () -> ()
      "tpu.region"() ({
        %run_scoped3A_114 = tpu.sem_alloc : memref<!tpu.dma_semaphore, #tpu.memory_space<semaphore_mem>>
        %dma_start3A_115 = tpu.memref_slice %arg8[%multiple_of3A_113] : memref<20480xf32, #tpu.memory_space<hbm>> -> memref<40xf32, #tpu.memory_space<hbm>>
        %dma_start3A_116 = tpu.memref_slice %arg8[%multiple_of3A_113] : memref<20480xf32, #tpu.memory_space<hbm>> -> memref<40xf32, #tpu.memory_space<hbm>>
        tpu.enqueue_dma source(%arg15 : memref<40xf32, #tpu.memory_space<vmem>>) target(%dma_start3A_116 : memref<40xf32, #tpu.memory_space<hbm>>) target_semaphore(%run_scoped3A_114 : memref<!tpu.dma_semaphore, #tpu.memory_space<semaphore_mem>>)
        %dma_wait3A_117 = tpu.memref_slice %arg8[%multiple_of3A_113] : memref<20480xf32, #tpu.memory_space<hbm>> -> memref<40xf32, #tpu.memory_space<hbm>>
        %dma_wait3A_118 = tpu.memref_slice %arg8[%multiple_of3A_113] : memref<20480xf32, #tpu.memory_space<hbm>> -> memref<40xf32, #tpu.memory_space<hbm>>
        tpu.wait_dma2 semaphore(%run_scoped3A_114 : memref<!tpu.dma_semaphore, #tpu.memory_space<semaphore_mem>>) src(%arg15 : memref<40xf32, #tpu.memory_space<vmem>>) dst(%dma_wait3A_118 : memref<40xf32, #tpu.memory_space<hbm>>)
        tpu.yield
      }) : () -> ()
    }
    %scan3A_97 = arith.constant 16 : i32
    return
  }
}

#map = affine_map<(d0, d1) -> (0, 0)>
#map1 = affine_map<(d0, d1) -> (0)>
module attributes {stable_mosaic.version = 14 : i64} {
  func.func @gather(%arg0: i32, %arg1: i32, %arg2: memref<10000x128xf32, #tpu.memory_space<hbm>>, %arg3: memref<512x128xf32, #tpu.memory_space<hbm>>, %arg4: memref<320240xi32, #tpu.memory_space<hbm>>, %arg5: memref<320240xi32, #tpu.memory_space<hbm>>, %arg6: memref<320240x128xf32, #tpu.memory_space<hbm>>, %arg7: memref<320240x128xf32, #tpu.memory_space<hbm>>, %arg8: memref<10240xi32, #tpu.memory_space<vmem>>, %arg9: memref<10240xi32, #tpu.memory_space<vmem>>, %arg10: memref<80x128xf32, #tpu.memory_space<vmem>>, %arg11: memref<80x128xf32, #tpu.memory_space<vmem>>, %arg12: memref<80x128xf32, #tpu.memory_space<vmem>>, %arg13: memref<80x128xf32, #tpu.memory_space<vmem>>, %arg14: memref<32x128xf32, #tpu.memory_space<vmem>>, %arg15: memref<512x128xf32, #tpu.memory_space<vmem_shared>>, %arg16: memref<!tpu.dma_semaphore, #tpu.memory_space<semaphore_mem>>, %arg17: memref<!tpu.dma_semaphore, #tpu.memory_space<semaphore_mem>>, %arg18: memref<!tpu.dma_semaphore, #tpu.memory_space<semaphore_mem>>, %arg19: memref<!tpu.dma_semaphore, #tpu.memory_space<semaphore_mem>>, %arg20: memref<!tpu.dma_semaphore, #tpu.memory_space<semaphore_mem>>, %arg21: memref<!tpu.dma_semaphore, #tpu.memory_space<semaphore_mem>>) attributes {dimension_semantics = [#tpu.dimension_semantics<core_parallel>, #tpu.dimension_semantics<subcore_parallel>], iteration_bounds = array<i64: 2, 16>, scalar_prefetch = 0 : i64, scratch_operands = 14 : i64, tpu.core_type = #tpu.core_type<sc_vector_subcore>, window_params = [{transform_indices = #map}, {transform_indices = #map}, {transform_indices = #map1}, {transform_indices = #map1}, {transform_indices = #map}, {transform_indices = #map}]} {
    %mul3A = arith.constant 2 : i32
    %mul3A_0 = arith.muli %arg1, %mul3A : i32
    %add3A = arith.addi %mul3A_0, %arg0 : i32
    %mul3A_1 = arith.constant 10000 : i32
    %mul3A_2 = arith.muli %add3A, %mul3A_1 : i32
    %multiple_of3A = tpu.assume_multiple %mul3A_2, 8 : i32
    %mul3A_3 = arith.constant 32 : i32
    %mul3A_4 = arith.muli %arg1, %mul3A_3 : i32
    %multiple_of3A_5 = tpu.assume_multiple %mul3A_4, 8 : i32
    "tpu.region"() ({
      %run_scoped3A = tpu.sem_alloc : memref<!tpu.dma_semaphore, #tpu.memory_space<semaphore_mem>>
      %dma_start3A_53 = arith.constant 0 : i32
      %dma_start3A_54 = tpu.memref_slice %arg3[%multiple_of3A_5, %dma_start3A_53] : memref<512x128xf32, #tpu.memory_space<hbm>> -> memref<32x128xf32, #tpu.memory_space<hbm>>
      %dma_start3A_55 = arith.constant 0 : i32
      %dma_start3A_56 = tpu.memref_slice %arg3[%multiple_of3A_5, %dma_start3A_55] : memref<512x128xf32, #tpu.memory_space<hbm>> -> memref<32x128xf32, #tpu.memory_space<hbm>>
      tpu.enqueue_dma source(%dma_start3A_56 : memref<32x128xf32, #tpu.memory_space<hbm>>) target(%arg14 : memref<32x128xf32, #tpu.memory_space<vmem>>) target_semaphore(%run_scoped3A : memref<!tpu.dma_semaphore, #tpu.memory_space<semaphore_mem>>)
      %dma_wait3A_57 = arith.constant 0 : i32
      %dma_wait3A_58 = tpu.memref_slice %arg3[%multiple_of3A_5, %dma_wait3A_57] : memref<512x128xf32, #tpu.memory_space<hbm>> -> memref<32x128xf32, #tpu.memory_space<hbm>>
      %dma_wait3A_59 = arith.constant 0 : i32
      %dma_wait3A_60 = tpu.memref_slice %arg3[%multiple_of3A_5, %dma_wait3A_59] : memref<512x128xf32, #tpu.memory_space<hbm>> -> memref<32x128xf32, #tpu.memory_space<hbm>>
      tpu.wait_dma2 semaphore(%run_scoped3A : memref<!tpu.dma_semaphore, #tpu.memory_space<semaphore_mem>>) src(%dma_wait3A_60 : memref<32x128xf32, #tpu.memory_space<hbm>>) dst(%arg14 : memref<32x128xf32, #tpu.memory_space<vmem>>)
      tpu.yield
    }) : () -> ()
    "tpu.region"() ({
      %run_scoped3A = tpu.sem_alloc : memref<!tpu.dma_semaphore, #tpu.memory_space<semaphore_mem>>
      %dma_start3A_53 = arith.constant 0 : i32
      %dma_start3A_54 = tpu.memref_slice %arg15[%multiple_of3A_5, %dma_start3A_53] : memref<512x128xf32, #tpu.memory_space<vmem_shared>> -> memref<32x128xf32, #tpu.memory_space<vmem_shared>>
      %dma_start3A_55 = arith.constant 0 : i32
      %dma_start3A_56 = tpu.memref_slice %arg15[%multiple_of3A_5, %dma_start3A_55] : memref<512x128xf32, #tpu.memory_space<vmem_shared>> -> memref<32x128xf32, #tpu.memory_space<vmem_shared>>
      tpu.enqueue_dma source(%arg14 : memref<32x128xf32, #tpu.memory_space<vmem>>) target(%dma_start3A_56 : memref<32x128xf32, #tpu.memory_space<vmem_shared>>) target_semaphore(%run_scoped3A : memref<!tpu.dma_semaphore, #tpu.memory_space<semaphore_mem>>)
      %dma_wait3A_57 = arith.constant 0 : i32
      %dma_wait3A_58 = tpu.memref_slice %arg15[%multiple_of3A_5, %dma_wait3A_57] : memref<512x128xf32, #tpu.memory_space<vmem_shared>> -> memref<32x128xf32, #tpu.memory_space<vmem_shared>>
      %dma_wait3A_59 = arith.constant 0 : i32
      %dma_wait3A_60 = tpu.memref_slice %arg15[%multiple_of3A_5, %dma_wait3A_59] : memref<512x128xf32, #tpu.memory_space<vmem_shared>> -> memref<32x128xf32, #tpu.memory_space<vmem_shared>>
      tpu.wait_dma2 semaphore(%run_scoped3A : memref<!tpu.dma_semaphore, #tpu.memory_space<semaphore_mem>>) src(%arg14 : memref<32x128xf32, #tpu.memory_space<vmem>>) dst(%dma_wait3A_60 : memref<32x128xf32, #tpu.memory_space<vmem_shared>>)
      tpu.yield
    }) : () -> ()
    "tpu.region"() ({
      %run_scoped3A = tpu.sem_alloc : memref<!tpu.dma_semaphore, #tpu.memory_space<semaphore_mem>>
      %dma_start3A_53 = tpu.memref_slice %arg4[%multiple_of3A] : memref<320240xi32, #tpu.memory_space<hbm>> -> memref<10240xi32, #tpu.memory_space<hbm>>
      %dma_start3A_54 = tpu.memref_slice %arg4[%multiple_of3A] : memref<320240xi32, #tpu.memory_space<hbm>> -> memref<10240xi32, #tpu.memory_space<hbm>>
      tpu.enqueue_dma source(%dma_start3A_54 : memref<10240xi32, #tpu.memory_space<hbm>>) target(%arg8 : memref<10240xi32, #tpu.memory_space<vmem>>) target_semaphore(%run_scoped3A : memref<!tpu.dma_semaphore, #tpu.memory_space<semaphore_mem>>)
      %dma_wait3A_55 = tpu.memref_slice %arg4[%multiple_of3A] : memref<320240xi32, #tpu.memory_space<hbm>> -> memref<10240xi32, #tpu.memory_space<hbm>>
      %dma_wait3A_56 = tpu.memref_slice %arg4[%multiple_of3A] : memref<320240xi32, #tpu.memory_space<hbm>> -> memref<10240xi32, #tpu.memory_space<hbm>>
      tpu.wait_dma2 semaphore(%run_scoped3A : memref<!tpu.dma_semaphore, #tpu.memory_space<semaphore_mem>>) src(%dma_wait3A_56 : memref<10240xi32, #tpu.memory_space<hbm>>) dst(%arg8 : memref<10240xi32, #tpu.memory_space<vmem>>)
      tpu.yield
    }) : () -> ()
    "tpu.region"() ({
      %run_scoped3A = tpu.sem_alloc : memref<!tpu.dma_semaphore, #tpu.memory_space<semaphore_mem>>
      %dma_start3A_53 = tpu.memref_slice %arg5[%multiple_of3A] : memref<320240xi32, #tpu.memory_space<hbm>> -> memref<10240xi32, #tpu.memory_space<hbm>>
      %dma_start3A_54 = tpu.memref_slice %arg5[%multiple_of3A] : memref<320240xi32, #tpu.memory_space<hbm>> -> memref<10240xi32, #tpu.memory_space<hbm>>
      tpu.enqueue_dma source(%dma_start3A_54 : memref<10240xi32, #tpu.memory_space<hbm>>) target(%arg9 : memref<10240xi32, #tpu.memory_space<vmem>>) target_semaphore(%run_scoped3A : memref<!tpu.dma_semaphore, #tpu.memory_space<semaphore_mem>>)
      %dma_wait3A_55 = tpu.memref_slice %arg5[%multiple_of3A] : memref<320240xi32, #tpu.memory_space<hbm>> -> memref<10240xi32, #tpu.memory_space<hbm>>
      %dma_wait3A_56 = tpu.memref_slice %arg5[%multiple_of3A] : memref<320240xi32, #tpu.memory_space<hbm>> -> memref<10240xi32, #tpu.memory_space<hbm>>
      tpu.wait_dma2 semaphore(%run_scoped3A : memref<!tpu.dma_semaphore, #tpu.memory_space<semaphore_mem>>) src(%dma_wait3A_56 : memref<10240xi32, #tpu.memory_space<hbm>>) dst(%arg9 : memref<10240xi32, #tpu.memory_space<vmem>>)
      tpu.yield
    }) : () -> ()
    %barrier3A = arith.constant 0 : index
    tpu.barrier barrier_id(%barrier3A)
    %dma_start3A = arith.constant 0 : i32
    %dma_start3A_6 = tpu.memref_slice %arg8[%dma_start3A] : memref<10240xi32, #tpu.memory_space<vmem>> -> memref<80xi32, #tpu.memory_space<vmem>>
    %dma_start3A_7 = arith.constant 0 : i32
    %dma_start3A_8 = arith.constant 0 : i32
    %dma_start3A_9 = tpu.memref_slice %arg2[%dma_start3A_7, %dma_start3A_8] : memref<10000x128xf32, #tpu.memory_space<hbm>> -> memref<10000x128xf32, #tpu.memory_space<hbm>>
    tpu.enqueue_indirect_dma source(%dma_start3A_9 : memref<10000x128xf32, #tpu.memory_space<hbm>>) target(%arg10 : memref<80x128xf32, #tpu.memory_space<vmem>>) offsets(%dma_start3A_6 : memref<80xi32, #tpu.memory_space<vmem>>) semaphore(%arg16 : memref<!tpu.dma_semaphore, #tpu.memory_space<semaphore_mem>>)
    %dma_start3A_10 = arith.constant 0 : i32
    %dma_start3A_11 = tpu.memref_slice %arg9[%dma_start3A_10] : memref<10240xi32, #tpu.memory_space<vmem>> -> memref<80xi32, #tpu.memory_space<vmem>>
    %dma_start3A_12 = arith.constant 0 : i32
    %dma_start3A_13 = arith.constant 0 : i32
    %dma_start3A_14 = tpu.memref_slice %arg15[%dma_start3A_12, %dma_start3A_13] : memref<512x128xf32, #tpu.memory_space<vmem_shared>> -> memref<512x128xf32, #tpu.memory_space<vmem_shared>>
    tpu.enqueue_indirect_dma source(%dma_start3A_14 : memref<512x128xf32, #tpu.memory_space<vmem_shared>>) target(%arg12 : memref<80x128xf32, #tpu.memory_space<vmem>>) offsets(%dma_start3A_11 : memref<80xi32, #tpu.memory_space<vmem>>) semaphore(%arg18 : memref<!tpu.dma_semaphore, #tpu.memory_space<semaphore_mem>>)
    %dma_start3A_15 = arith.constant 80 : i32
    %dma_start3A_16 = tpu.memref_slice %arg8[%dma_start3A_15] : memref<10240xi32, #tpu.memory_space<vmem>> -> memref<80xi32, #tpu.memory_space<vmem>>
    %dma_start3A_17 = arith.constant 0 : i32
    %dma_start3A_18 = arith.constant 0 : i32
    %dma_start3A_19 = tpu.memref_slice %arg2[%dma_start3A_17, %dma_start3A_18] : memref<10000x128xf32, #tpu.memory_space<hbm>> -> memref<10000x128xf32, #tpu.memory_space<hbm>>
    tpu.enqueue_indirect_dma source(%dma_start3A_19 : memref<10000x128xf32, #tpu.memory_space<hbm>>) target(%arg11 : memref<80x128xf32, #tpu.memory_space<vmem>>) offsets(%dma_start3A_16 : memref<80xi32, #tpu.memory_space<vmem>>) semaphore(%arg17 : memref<!tpu.dma_semaphore, #tpu.memory_space<semaphore_mem>>)
    %dma_start3A_20 = arith.constant 80 : i32
    %dma_start3A_21 = tpu.memref_slice %arg9[%dma_start3A_20] : memref<10240xi32, #tpu.memory_space<vmem>> -> memref<80xi32, #tpu.memory_space<vmem>>
    %dma_start3A_22 = arith.constant 0 : i32
    %dma_start3A_23 = arith.constant 0 : i32
    %dma_start3A_24 = tpu.memref_slice %arg15[%dma_start3A_22, %dma_start3A_23] : memref<512x128xf32, #tpu.memory_space<vmem_shared>> -> memref<512x128xf32, #tpu.memory_space<vmem_shared>>
    tpu.enqueue_indirect_dma source(%dma_start3A_24 : memref<512x128xf32, #tpu.memory_space<vmem_shared>>) target(%arg13 : memref<80x128xf32, #tpu.memory_space<vmem>>) offsets(%dma_start3A_21 : memref<80xi32, #tpu.memory_space<vmem>>) semaphore(%arg19 : memref<!tpu.dma_semaphore, #tpu.memory_space<semaphore_mem>>)
    %scan3A = arith.constant 0 : i32
    %scan3A_25 = arith.constant 0 : i32
    %scan3A_26 = arith.constant 63 : i32
    %scan3A_27 = arith.addi %scan3A_25, %scan3A_26 : i32
    %scan3A_28 = arith.constant 1 : i32
    scf.for %scan3A_53 = %scan3A_25 to %scan3A_27 step %scan3A_28  : i32 {
      %mul3A_54 = arith.constant 2 : i32
      %mul3A_55 = arith.muli %mul3A_54, %scan3A_53 : i32
      %mul3A_56 = arith.constant 80 : i32
      %mul3A_57 = arith.muli %mul3A_55, %mul3A_56 : i32
      %add3A_58 = arith.addi %multiple_of3A, %mul3A_57 : i32
      %multiple_of3A_59 = tpu.assume_multiple %add3A_58, 8 : i32
      %add3A_60 = arith.constant 80 : i32
      %add3A_61 = arith.addi %multiple_of3A_59, %add3A_60 : i32
      %multiple_of3A_62 = tpu.assume_multiple %add3A_61, 8 : i32
      %dma_wait3A_63 = arith.constant 0 : i32
      %dma_wait3A_64 = arith.constant 0 : i32
      %dma_wait3A_65 = tpu.memref_slice %arg2[%dma_wait3A_63, %dma_wait3A_64] : memref<10000x128xf32, #tpu.memory_space<hbm>> -> memref<80x128xf32, #tpu.memory_space<hbm>>
      %dma_wait3A_66 = arith.constant 0 : i32
      %dma_wait3A_67 = arith.constant 0 : i32
      %dma_wait3A_68 = tpu.memref_slice %arg2[%dma_wait3A_66, %dma_wait3A_67] : memref<10000x128xf32, #tpu.memory_space<hbm>> -> memref<80x128xf32, #tpu.memory_space<hbm>>
      tpu.wait_dma2 semaphore(%arg16 : memref<!tpu.dma_semaphore, #tpu.memory_space<semaphore_mem>>) src(%dma_wait3A_68 : memref<80x128xf32, #tpu.memory_space<hbm>>) dst(%arg10 : memref<80x128xf32, #tpu.memory_space<vmem>>)
      %dma_wait3A_69 = arith.constant 0 : i32
      %dma_wait3A_70 = arith.constant 0 : i32
      %dma_wait3A_71 = tpu.memref_slice %arg2[%dma_wait3A_69, %dma_wait3A_70] : memref<10000x128xf32, #tpu.memory_space<hbm>> -> memref<80x128xf32, #tpu.memory_space<hbm>>
      %dma_wait3A_72 = arith.constant 0 : i32
      %dma_wait3A_73 = arith.constant 0 : i32
      %dma_wait3A_74 = tpu.memref_slice %arg2[%dma_wait3A_72, %dma_wait3A_73] : memref<10000x128xf32, #tpu.memory_space<hbm>> -> memref<80x128xf32, #tpu.memory_space<hbm>>
      tpu.wait_dma2 semaphore(%arg18 : memref<!tpu.dma_semaphore, #tpu.memory_space<semaphore_mem>>) src(%dma_wait3A_74 : memref<80x128xf32, #tpu.memory_space<hbm>>) dst(%arg12 : memref<80x128xf32, #tpu.memory_space<vmem>>)
      %dma_start3A_75 = arith.constant 0 : i32
      %dma_start3A_76 = tpu.memref_slice %arg6[%multiple_of3A_59, %dma_start3A_75] : memref<320240x128xf32, #tpu.memory_space<hbm>> -> memref<80x128xf32, #tpu.memory_space<hbm>>
      %dma_start3A_77 = arith.constant 0 : i32
      %dma_start3A_78 = tpu.memref_slice %arg6[%multiple_of3A_59, %dma_start3A_77] : memref<320240x128xf32, #tpu.memory_space<hbm>> -> memref<80x128xf32, #tpu.memory_space<hbm>>
      tpu.enqueue_dma source(%arg10 : memref<80x128xf32, #tpu.memory_space<vmem>>) target(%dma_start3A_78 : memref<80x128xf32, #tpu.memory_space<hbm>>) target_semaphore(%arg20 : memref<!tpu.dma_semaphore, #tpu.memory_space<semaphore_mem>>)
      %dma_start3A_79 = arith.constant 0 : i32
      %dma_start3A_80 = tpu.memref_slice %arg7[%multiple_of3A_59, %dma_start3A_79] : memref<320240x128xf32, #tpu.memory_space<hbm>> -> memref<80x128xf32, #tpu.memory_space<hbm>>
      %dma_start3A_81 = arith.constant 0 : i32
      %dma_start3A_82 = tpu.memref_slice %arg7[%multiple_of3A_59, %dma_start3A_81] : memref<320240x128xf32, #tpu.memory_space<hbm>> -> memref<80x128xf32, #tpu.memory_space<hbm>>
      tpu.enqueue_dma source(%arg12 : memref<80x128xf32, #tpu.memory_space<vmem>>) target(%dma_start3A_82 : memref<80x128xf32, #tpu.memory_space<hbm>>) target_semaphore(%arg20 : memref<!tpu.dma_semaphore, #tpu.memory_space<semaphore_mem>>)
      %dma_wait3A_83 = arith.constant 0 : i32
      %dma_wait3A_84 = arith.constant 0 : i32
      %dma_wait3A_85 = tpu.memref_slice %arg2[%dma_wait3A_83, %dma_wait3A_84] : memref<10000x128xf32, #tpu.memory_space<hbm>> -> memref<80x128xf32, #tpu.memory_space<hbm>>
      %dma_wait3A_86 = arith.constant 0 : i32
      %dma_wait3A_87 = arith.constant 0 : i32
      %dma_wait3A_88 = tpu.memref_slice %arg2[%dma_wait3A_86, %dma_wait3A_87] : memref<10000x128xf32, #tpu.memory_space<hbm>> -> memref<80x128xf32, #tpu.memory_space<hbm>>
      tpu.wait_dma2 semaphore(%arg17 : memref<!tpu.dma_semaphore, #tpu.memory_space<semaphore_mem>>) src(%dma_wait3A_88 : memref<80x128xf32, #tpu.memory_space<hbm>>) dst(%arg11 : memref<80x128xf32, #tpu.memory_space<vmem>>)
      %dma_wait3A_89 = arith.constant 0 : i32
      %dma_wait3A_90 = arith.constant 0 : i32
      %dma_wait3A_91 = tpu.memref_slice %arg2[%dma_wait3A_89, %dma_wait3A_90] : memref<10000x128xf32, #tpu.memory_space<hbm>> -> memref<80x128xf32, #tpu.memory_space<hbm>>
      %dma_wait3A_92 = arith.constant 0 : i32
      %dma_wait3A_93 = arith.constant 0 : i32
      %dma_wait3A_94 = tpu.memref_slice %arg2[%dma_wait3A_92, %dma_wait3A_93] : memref<10000x128xf32, #tpu.memory_space<hbm>> -> memref<80x128xf32, #tpu.memory_space<hbm>>
      tpu.wait_dma2 semaphore(%arg19 : memref<!tpu.dma_semaphore, #tpu.memory_space<semaphore_mem>>) src(%dma_wait3A_94 : memref<80x128xf32, #tpu.memory_space<hbm>>) dst(%arg13 : memref<80x128xf32, #tpu.memory_space<vmem>>)
      %dma_start3A_95 = arith.constant 0 : i32
      %dma_start3A_96 = tpu.memref_slice %arg6[%multiple_of3A_62, %dma_start3A_95] : memref<320240x128xf32, #tpu.memory_space<hbm>> -> memref<80x128xf32, #tpu.memory_space<hbm>>
      %dma_start3A_97 = arith.constant 0 : i32
      %dma_start3A_98 = tpu.memref_slice %arg6[%multiple_of3A_62, %dma_start3A_97] : memref<320240x128xf32, #tpu.memory_space<hbm>> -> memref<80x128xf32, #tpu.memory_space<hbm>>
      tpu.enqueue_dma source(%arg11 : memref<80x128xf32, #tpu.memory_space<vmem>>) target(%dma_start3A_98 : memref<80x128xf32, #tpu.memory_space<hbm>>) target_semaphore(%arg21 : memref<!tpu.dma_semaphore, #tpu.memory_space<semaphore_mem>>)
      %dma_start3A_99 = arith.constant 0 : i32
      %dma_start3A_100 = tpu.memref_slice %arg7[%multiple_of3A_62, %dma_start3A_99] : memref<320240x128xf32, #tpu.memory_space<hbm>> -> memref<80x128xf32, #tpu.memory_space<hbm>>
      %dma_start3A_101 = arith.constant 0 : i32
      %dma_start3A_102 = tpu.memref_slice %arg7[%multiple_of3A_62, %dma_start3A_101] : memref<320240x128xf32, #tpu.memory_space<hbm>> -> memref<80x128xf32, #tpu.memory_space<hbm>>
      tpu.enqueue_dma source(%arg13 : memref<80x128xf32, #tpu.memory_space<vmem>>) target(%dma_start3A_102 : memref<80x128xf32, #tpu.memory_space<hbm>>) target_semaphore(%arg21 : memref<!tpu.dma_semaphore, #tpu.memory_space<semaphore_mem>>)
      %dma_wait3A_103 = arith.constant 0 : i32
      %dma_wait3A_104 = arith.constant 0 : i32
      %dma_wait3A_105 = tpu.memref_slice %arg6[%dma_wait3A_103, %dma_wait3A_104] : memref<320240x128xf32, #tpu.memory_space<hbm>> -> memref<80x128xf32, #tpu.memory_space<hbm>>
      %dma_wait3A_106 = arith.constant 0 : i32
      %dma_wait3A_107 = arith.constant 0 : i32
      %dma_wait3A_108 = tpu.memref_slice %arg6[%dma_wait3A_106, %dma_wait3A_107] : memref<320240x128xf32, #tpu.memory_space<hbm>> -> memref<80x128xf32, #tpu.memory_space<hbm>>
      tpu.wait_dma2 semaphore(%arg20 : memref<!tpu.dma_semaphore, #tpu.memory_space<semaphore_mem>>) src(%arg10 : memref<80x128xf32, #tpu.memory_space<vmem>>) dst(%dma_wait3A_108 : memref<80x128xf32, #tpu.memory_space<hbm>>)
      %dma_wait3A_109 = arith.constant 0 : i32
      %dma_wait3A_110 = arith.constant 0 : i32
      %dma_wait3A_111 = tpu.memref_slice %arg7[%dma_wait3A_109, %dma_wait3A_110] : memref<320240x128xf32, #tpu.memory_space<hbm>> -> memref<80x128xf32, #tpu.memory_space<hbm>>
      %dma_wait3A_112 = arith.constant 0 : i32
      %dma_wait3A_113 = arith.constant 0 : i32
      %dma_wait3A_114 = tpu.memref_slice %arg7[%dma_wait3A_112, %dma_wait3A_113] : memref<320240x128xf32, #tpu.memory_space<hbm>> -> memref<80x128xf32, #tpu.memory_space<hbm>>
      tpu.wait_dma2 semaphore(%arg20 : memref<!tpu.dma_semaphore, #tpu.memory_space<semaphore_mem>>) src(%arg12 : memref<80x128xf32, #tpu.memory_space<vmem>>) dst(%dma_wait3A_114 : memref<80x128xf32, #tpu.memory_space<hbm>>)
      %add3A_115 = arith.constant 2 : i32
      %add3A_116 = arith.addi %mul3A_55, %add3A_115 : i32
      %mul3A_117 = arith.constant 80 : i32
      %mul3A_118 = arith.muli %add3A_116, %mul3A_117 : i32
      %dma_start3A_119 = tpu.memref_slice %arg8[%mul3A_118] : memref<10240xi32, #tpu.memory_space<vmem>> -> memref<80xi32, #tpu.memory_space<vmem>>
      %dma_start3A_120 = arith.constant 0 : i32
      %dma_start3A_121 = arith.constant 0 : i32
      %dma_start3A_122 = tpu.memref_slice %arg2[%dma_start3A_120, %dma_start3A_121] : memref<10000x128xf32, #tpu.memory_space<hbm>> -> memref<10000x128xf32, #tpu.memory_space<hbm>>
      tpu.enqueue_indirect_dma source(%dma_start3A_122 : memref<10000x128xf32, #tpu.memory_space<hbm>>) target(%arg10 : memref<80x128xf32, #tpu.memory_space<vmem>>) offsets(%dma_start3A_119 : memref<80xi32, #tpu.memory_space<vmem>>) semaphore(%arg16 : memref<!tpu.dma_semaphore, #tpu.memory_space<semaphore_mem>>)
      %mul3A_123 = arith.constant 80 : i32
      %mul3A_124 = arith.muli %add3A_116, %mul3A_123 : i32
      %dma_start3A_125 = tpu.memref_slice %arg9[%mul3A_124] : memref<10240xi32, #tpu.memory_space<vmem>> -> memref<80xi32, #tpu.memory_space<vmem>>
      %dma_start3A_126 = arith.constant 0 : i32
      %dma_start3A_127 = arith.constant 0 : i32
      %dma_start3A_128 = tpu.memref_slice %arg15[%dma_start3A_126, %dma_start3A_127] : memref<512x128xf32, #tpu.memory_space<vmem_shared>> -> memref<512x128xf32, #tpu.memory_space<vmem_shared>>
      tpu.enqueue_indirect_dma source(%dma_start3A_128 : memref<512x128xf32, #tpu.memory_space<vmem_shared>>) target(%arg12 : memref<80x128xf32, #tpu.memory_space<vmem>>) offsets(%dma_start3A_125 : memref<80xi32, #tpu.memory_space<vmem>>) semaphore(%arg18 : memref<!tpu.dma_semaphore, #tpu.memory_space<semaphore_mem>>)
      %dma_wait3A_129 = arith.constant 0 : i32
      %dma_wait3A_130 = arith.constant 0 : i32
      %dma_wait3A_131 = tpu.memref_slice %arg6[%dma_wait3A_129, %dma_wait3A_130] : memref<320240x128xf32, #tpu.memory_space<hbm>> -> memref<80x128xf32, #tpu.memory_space<hbm>>
      %dma_wait3A_132 = arith.constant 0 : i32
      %dma_wait3A_133 = arith.constant 0 : i32
      %dma_wait3A_134 = tpu.memref_slice %arg6[%dma_wait3A_132, %dma_wait3A_133] : memref<320240x128xf32, #tpu.memory_space<hbm>> -> memref<80x128xf32, #tpu.memory_space<hbm>>
      tpu.wait_dma2 semaphore(%arg21 : memref<!tpu.dma_semaphore, #tpu.memory_space<semaphore_mem>>) src(%arg11 : memref<80x128xf32, #tpu.memory_space<vmem>>) dst(%dma_wait3A_134 : memref<80x128xf32, #tpu.memory_space<hbm>>)
      %dma_wait3A_135 = arith.constant 0 : i32
      %dma_wait3A_136 = arith.constant 0 : i32
      %dma_wait3A_137 = tpu.memref_slice %arg7[%dma_wait3A_135, %dma_wait3A_136] : memref<320240x128xf32, #tpu.memory_space<hbm>> -> memref<80x128xf32, #tpu.memory_space<hbm>>
      %dma_wait3A_138 = arith.constant 0 : i32
      %dma_wait3A_139 = arith.constant 0 : i32
      %dma_wait3A_140 = tpu.memref_slice %arg7[%dma_wait3A_138, %dma_wait3A_139] : memref<320240x128xf32, #tpu.memory_space<hbm>> -> memref<80x128xf32, #tpu.memory_space<hbm>>
      tpu.wait_dma2 semaphore(%arg21 : memref<!tpu.dma_semaphore, #tpu.memory_space<semaphore_mem>>) src(%arg13 : memref<80x128xf32, #tpu.memory_space<vmem>>) dst(%dma_wait3A_140 : memref<80x128xf32, #tpu.memory_space<hbm>>)
      %add3A_141 = arith.constant 3 : i32
      %add3A_142 = arith.addi %mul3A_55, %add3A_141 : i32
      %mul3A_143 = arith.constant 80 : i32
      %mul3A_144 = arith.muli %add3A_142, %mul3A_143 : i32
      %dma_start3A_145 = tpu.memref_slice %arg8[%mul3A_144] : memref<10240xi32, #tpu.memory_space<vmem>> -> memref<80xi32, #tpu.memory_space<vmem>>
      %dma_start3A_146 = arith.constant 0 : i32
      %dma_start3A_147 = arith.constant 0 : i32
      %dma_start3A_148 = tpu.memref_slice %arg2[%dma_start3A_146, %dma_start3A_147] : memref<10000x128xf32, #tpu.memory_space<hbm>> -> memref<10000x128xf32, #tpu.memory_space<hbm>>
      tpu.enqueue_indirect_dma source(%dma_start3A_148 : memref<10000x128xf32, #tpu.memory_space<hbm>>) target(%arg11 : memref<80x128xf32, #tpu.memory_space<vmem>>) offsets(%dma_start3A_145 : memref<80xi32, #tpu.memory_space<vmem>>) semaphore(%arg17 : memref<!tpu.dma_semaphore, #tpu.memory_space<semaphore_mem>>)
      %mul3A_149 = arith.constant 80 : i32
      %mul3A_150 = arith.muli %add3A_142, %mul3A_149 : i32
      %dma_start3A_151 = tpu.memref_slice %arg9[%mul3A_150] : memref<10240xi32, #tpu.memory_space<vmem>> -> memref<80xi32, #tpu.memory_space<vmem>>
      %dma_start3A_152 = arith.constant 0 : i32
      %dma_start3A_153 = arith.constant 0 : i32
      %dma_start3A_154 = tpu.memref_slice %arg15[%dma_start3A_152, %dma_start3A_153] : memref<512x128xf32, #tpu.memory_space<vmem_shared>> -> memref<512x128xf32, #tpu.memory_space<vmem_shared>>
      tpu.enqueue_indirect_dma source(%dma_start3A_154 : memref<512x128xf32, #tpu.memory_space<vmem_shared>>) target(%arg13 : memref<80x128xf32, #tpu.memory_space<vmem>>) offsets(%dma_start3A_151 : memref<80xi32, #tpu.memory_space<vmem>>) semaphore(%arg19 : memref<!tpu.dma_semaphore, #tpu.memory_space<semaphore_mem>>)
    }
    %scan3A_29 = arith.constant 63 : i32
    %dma_wait3A = arith.constant 0 : i32
    %dma_wait3A_30 = arith.constant 0 : i32
    %dma_wait3A_31 = tpu.memref_slice %arg2[%dma_wait3A, %dma_wait3A_30] : memref<10000x128xf32, #tpu.memory_space<hbm>> -> memref<80x128xf32, #tpu.memory_space<hbm>>
    %dma_wait3A_32 = arith.constant 0 : i32
    %dma_wait3A_33 = arith.constant 0 : i32
    %dma_wait3A_34 = tpu.memref_slice %arg2[%dma_wait3A_32, %dma_wait3A_33] : memref<10000x128xf32, #tpu.memory_space<hbm>> -> memref<80x128xf32, #tpu.memory_space<hbm>>
    tpu.wait_dma2 semaphore(%arg16 : memref<!tpu.dma_semaphore, #tpu.memory_space<semaphore_mem>>) src(%dma_wait3A_34 : memref<80x128xf32, #tpu.memory_space<hbm>>) dst(%arg10 : memref<80x128xf32, #tpu.memory_space<vmem>>)
    %dma_wait3A_35 = arith.constant 0 : i32
    %dma_wait3A_36 = arith.constant 0 : i32
    %dma_wait3A_37 = tpu.memref_slice %arg2[%dma_wait3A_35, %dma_wait3A_36] : memref<10000x128xf32, #tpu.memory_space<hbm>> -> memref<80x128xf32, #tpu.memory_space<hbm>>
    %dma_wait3A_38 = arith.constant 0 : i32
    %dma_wait3A_39 = arith.constant 0 : i32
    %dma_wait3A_40 = tpu.memref_slice %arg2[%dma_wait3A_38, %dma_wait3A_39] : memref<10000x128xf32, #tpu.memory_space<hbm>> -> memref<80x128xf32, #tpu.memory_space<hbm>>
    tpu.wait_dma2 semaphore(%arg18 : memref<!tpu.dma_semaphore, #tpu.memory_space<semaphore_mem>>) src(%dma_wait3A_40 : memref<80x128xf32, #tpu.memory_space<hbm>>) dst(%arg12 : memref<80x128xf32, #tpu.memory_space<vmem>>)
    %dma_wait3A_41 = arith.constant 0 : i32
    %dma_wait3A_42 = arith.constant 0 : i32
    %dma_wait3A_43 = tpu.memref_slice %arg2[%dma_wait3A_41, %dma_wait3A_42] : memref<10000x128xf32, #tpu.memory_space<hbm>> -> memref<80x128xf32, #tpu.memory_space<hbm>>
    %dma_wait3A_44 = arith.constant 0 : i32
    %dma_wait3A_45 = arith.constant 0 : i32
    %dma_wait3A_46 = tpu.memref_slice %arg2[%dma_wait3A_44, %dma_wait3A_45] : memref<10000x128xf32, #tpu.memory_space<hbm>> -> memref<80x128xf32, #tpu.memory_space<hbm>>
    tpu.wait_dma2 semaphore(%arg17 : memref<!tpu.dma_semaphore, #tpu.memory_space<semaphore_mem>>) src(%dma_wait3A_46 : memref<80x128xf32, #tpu.memory_space<hbm>>) dst(%arg11 : memref<80x128xf32, #tpu.memory_space<vmem>>)
    %dma_wait3A_47 = arith.constant 0 : i32
    %dma_wait3A_48 = arith.constant 0 : i32
    %dma_wait3A_49 = tpu.memref_slice %arg2[%dma_wait3A_47, %dma_wait3A_48] : memref<10000x128xf32, #tpu.memory_space<hbm>> -> memref<80x128xf32, #tpu.memory_space<hbm>>
    %dma_wait3A_50 = arith.constant 0 : i32
    %dma_wait3A_51 = arith.constant 0 : i32
    %dma_wait3A_52 = tpu.memref_slice %arg2[%dma_wait3A_50, %dma_wait3A_51] : memref<10000x128xf32, #tpu.memory_space<hbm>> -> memref<80x128xf32, #tpu.memory_space<hbm>>
    tpu.wait_dma2 semaphore(%arg19 : memref<!tpu.dma_semaphore, #tpu.memory_space<semaphore_mem>>) src(%dma_wait3A_52 : memref<80x128xf32, #tpu.memory_space<hbm>>) dst(%arg13 : memref<80x128xf32, #tpu.memory_space<vmem>>)
    return
  }
}

module attributes {stable_mosaic.version = 14 : i64} {
  func.func @_prep_body(%arg0: memref<500x128xf32, #tpu.memory_space<vmem>>, %arg1: memref<1x128xf32, #tpu.memory_space<vmem>>, %arg2: memref<2x128xf32, #tpu.memory_space<vmem>>, %arg3: memref<128x128xf32, #tpu.memory_space<vmem>>, %arg4: memref<128x128xf32, #tpu.memory_space<vmem>>, %arg5: memref<1x128xf32, #tpu.memory_space<vmem>>, %arg6: memref<128x128xf32, #tpu.memory_space<vmem>>, %arg7: memref<1x128xf32, #tpu.memory_space<vmem>>, %arg8: memref<1x128xf32, #tpu.memory_space<vmem>>, %arg9: memref<1x128xf32, #tpu.memory_space<vmem>>, %arg10: memref<500x128xf32, #tpu.memory_space<vmem>>, %arg11: memref<500x128xf32, #tpu.memory_space<vmem>>, %arg12: memref<1x128xf32, #tpu.memory_space<vmem>>, %arg13: memref<1x128xf32, #tpu.memory_space<vmem>>, %arg14: memref<1x128xf32, #tpu.memory_space<vmem>>) attributes {dimension_semantics = [], scalar_prefetch = 0 : i64, scratch_operands = 0 : i64, tpu.core_type = #tpu.core_type<tc>} {
    %get3A = arith.constant 0 : index
    %get3A_0 = arith.constant 0 : index
    %get3A_1 = vector.load %arg0[%get3A, %get3A_0] : memref<500x128xf32, #tpu.memory_space<vmem>>, vector<500x128xf32>
    %reduce_sum3A = arith.constant dense<0.000000e+00> : vector<128xf32>
    %reduce_sum3A_2 = vector.multi_reduction <add>, %get3A_1, %reduce_sum3A [0] : vector<500x128xf32> to vector<128xf32>
    %broadcast_in_dim3A = vector.shape_cast %reduce_sum3A_2 : vector<128xf32> to vector<1x128xf32>
    %div3A = arith.constant 5.000000e+02 : f32
    %div3A_3 = vector.broadcast %div3A : f32 to vector<1x128xf32>
    %div3A_4 = arith.divf %broadcast_in_dim3A, %div3A_3 : vector<1x128xf32>
    %sub3A = vector.broadcast %div3A_4 : vector<1x128xf32> to vector<500x128xf32>
    %sub3A_5 = arith.subf %get3A_1, %sub3A : vector<500x128xf32>
    %integer_pow3A = arith.mulf %sub3A_5, %sub3A_5 : vector<500x128xf32>
    %reduce_sum3A_6 = arith.constant dense<0.000000e+00> : vector<128xf32>
    %reduce_sum3A_7 = vector.multi_reduction <add>, %integer_pow3A, %reduce_sum3A_6 [0] : vector<500x128xf32> to vector<128xf32>
    %broadcast_in_dim3A_8 = vector.shape_cast %reduce_sum3A_7 : vector<128xf32> to vector<1x128xf32>
    %div3A_9 = arith.constant 5.000000e+02 : f32
    %div3A_10 = vector.broadcast %div3A_9 : f32 to vector<1x128xf32>
    %div3A_11 = arith.divf %broadcast_in_dim3A_8, %div3A_10 : vector<1x128xf32>
    %sub3A_12 = vector.broadcast %div3A_4 : vector<1x128xf32> to vector<500x128xf32>
    %sub3A_13 = arith.subf %get3A_1, %sub3A_12 : vector<500x128xf32>
    %add3A = arith.constant 9.99999974E-6 : f32
    %add3A_14 = vector.broadcast %add3A : f32 to vector<1x128xf32>
    %add3A_15 = arith.addf %div3A_11, %add3A_14 : vector<1x128xf32>
    %rsqrt3A = math.rsqrt %add3A_15 : vector<1x128xf32>
    %mul3A = vector.broadcast %rsqrt3A : vector<1x128xf32> to vector<500x128xf32>
    %mul3A_16 = arith.mulf %sub3A_13, %mul3A : vector<500x128xf32>
    %get3A_17 = arith.constant 0 : index
    %get3A_18 = arith.constant 0 : index
    %get3A_19 = vector.load %arg8[%get3A_17, %get3A_18] : memref<1x128xf32, #tpu.memory_space<vmem>>, vector<1x128xf32>
    %mul3A_20 = vector.broadcast %get3A_19 : vector<1x128xf32> to vector<500x128xf32>
    %mul3A_21 = arith.mulf %mul3A_16, %mul3A_20 : vector<500x128xf32>
    %get3A_22 = arith.constant 0 : index
    %get3A_23 = arith.constant 0 : index
    %get3A_24 = vector.load %arg9[%get3A_22, %get3A_23] : memref<1x128xf32, #tpu.memory_space<vmem>>, vector<1x128xf32>
    %add3A_25 = vector.broadcast %get3A_24 : vector<1x128xf32> to vector<500x128xf32>
    %add3A_26 = arith.addf %mul3A_21, %add3A_25 : vector<500x128xf32>
    %swap3A = arith.constant 0 : index
    %swap3A_27 = arith.constant 0 : index
    %swap3A_28 = vector.load %arg10[%swap3A, %swap3A_27] : memref<500x128xf32, #tpu.memory_space<vmem>>, vector<500x128xf32>
    tpu.vector_store %arg10[%swap3A, %swap3A_27], %add3A_26 {strides = array<i32>} : memref<500x128xf32, #tpu.memory_space<vmem>>, vector<500x128xf32>,
    %get3A_29 = arith.constant 0 : index
    %get3A_30 = arith.constant 0 : index
    %get3A_31 = vector.load %arg3[%get3A_29, %get3A_30] : memref<128x128xf32, #tpu.memory_space<vmem>>, vector<128x128xf32>
    %dot_general3A = arith.constant dense<0.000000e+00> : vector<500x128xf32>
    %dot_general3A_32 = tpu.matmul %add3A_26, %get3A_31, %dot_general3A {dimension_numbers = #tpu.dot_dimension_numbers<[1], [0], [0], [1], [0, 0, 1, 1], [], []>, transpose_lhs_hint = false} : vector<500x128xf32>, vector<128x128xf32>, vector<500x128xf32> -> vector<500x128xf32>
    %swap3A_33 = arith.constant 0 : index
    %swap3A_34 = arith.constant 0 : index
    %swap3A_35 = vector.load %arg11[%swap3A_33, %swap3A_34] : memref<500x128xf32, #tpu.memory_space<vmem>>, vector<500x128xf32>
    tpu.vector_store %arg11[%swap3A_33, %swap3A_34], %dot_general3A_32 {strides = array<i32>} : memref<500x128xf32, #tpu.memory_space<vmem>>, vector<500x128xf32>,
    %get3A_36 = arith.constant 0 : index
    %get3A_37 = arith.constant 0 : index
    %get3A_38 = vector.load %arg1[%get3A_36, %get3A_37] : memref<1x128xf32, #tpu.memory_space<vmem>>, vector<1x128xf32>
    %get3A_39 = arith.constant 0 : index
    %get3A_40 = arith.constant 0 : index
    %get3A_41 = vector.load %arg4[%get3A_39, %get3A_40] : memref<128x128xf32, #tpu.memory_space<vmem>>, vector<128x128xf32>
    %dot_general3A_42 = arith.constant dense<0.000000e+00> : vector<1x128xf32>
    %dot_general3A_43 = tpu.matmul %get3A_38, %get3A_41, %dot_general3A_42 {dimension_numbers = #tpu.dot_dimension_numbers<[1], [0], [0], [1], [0, 0, 1, 1], [], []>, transpose_lhs_hint = false} : vector<1x128xf32>, vector<128x128xf32>, vector<1x128xf32> -> vector<1x128xf32>
    %get3A_44 = arith.constant 0 : index
    %get3A_45 = arith.constant 0 : index
    %get3A_46 = vector.load %arg5[%get3A_44, %get3A_45] : memref<1x128xf32, #tpu.memory_space<vmem>>, vector<1x128xf32>
    %add3A_47 = arith.addf %dot_general3A_43, %get3A_46 : vector<1x128xf32>
    %swap3A_48 = arith.constant 0 : index
    %swap3A_49 = arith.constant 0 : index
    %swap3A_50 = vector.load %arg12[%swap3A_48, %swap3A_49] : memref<1x128xf32, #tpu.memory_space<vmem>>, vector<1x128xf32>
    tpu.vector_store %arg12[%swap3A_48, %swap3A_49], %add3A_47 {strides = array<i32>} : memref<1x128xf32, #tpu.memory_space<vmem>>, vector<1x128xf32>,
    %get3A_51 = arith.constant 0 : index
    %get3A_52 = arith.constant 0 : index
    %get3A_53 = vector.load %arg2[%get3A_51, %get3A_52] : memref<2x128xf32, #tpu.memory_space<vmem>>, vector<2x128xf32>
    %get3A_54 = arith.constant 0 : index
    %get3A_55 = arith.constant 0 : index
    %get3A_56 = vector.load %arg6[%get3A_54, %get3A_55] : memref<128x128xf32, #tpu.memory_space<vmem>>, vector<128x128xf32>
    %dot_general3A_57 = arith.constant dense<0.000000e+00> : vector<2x128xf32>
    %dot_general3A_58 = tpu.matmul %get3A_53, %get3A_56, %dot_general3A_57 {dimension_numbers = #tpu.dot_dimension_numbers<[1], [0], [0], [1], [0, 0, 1, 1], [], []>, transpose_lhs_hint = false} : vector<2x128xf32>, vector<128x128xf32>, vector<2x128xf32> -> vector<2x128xf32>
    %get3A_59 = arith.constant 0 : index
    %get3A_60 = arith.constant 0 : index
    %get3A_61 = vector.load %arg7[%get3A_59, %get3A_60] : memref<1x128xf32, #tpu.memory_space<vmem>>, vector<1x128xf32>
    %add3A_62 = vector.broadcast %get3A_61 : vector<1x128xf32> to vector<2x128xf32>
    %add3A_63 = arith.addf %dot_general3A_58, %add3A_62 : vector<2x128xf32>
    %slice3A = vector.extract_strided_slice %add3A_63 {offsets = [0, 0], sizes = [1, 128], strides = [1, 1]} : vector<2x128xf32> to vector<1x128xf32>
    %swap3A_64 = arith.constant 0 : index
    %swap3A_65 = arith.constant 0 : index
    %swap3A_66 = vector.load %arg13[%swap3A_64, %swap3A_65] : memref<1x128xf32, #tpu.memory_space<vmem>>, vector<1x128xf32>
    tpu.vector_store %arg13[%swap3A_64, %swap3A_65], %slice3A {strides = array<i32>} : memref<1x128xf32, #tpu.memory_space<vmem>>, vector<1x128xf32>,
    %slice3A_67 = vector.extract_strided_slice %add3A_63 {offsets = [1, 0], sizes = [1, 128], strides = [1, 1]} : vector<2x128xf32> to vector<1x128xf32>
    %swap3A_68 = arith.constant 0 : index
    %swap3A_69 = arith.constant 0 : index
    %swap3A_70 = vector.load %arg14[%swap3A_68, %swap3A_69] : memref<1x128xf32, #tpu.memory_space<vmem>>, vector<1x128xf32>
    tpu.vector_store %arg14[%swap3A_68, %swap3A_69], %slice3A_67 {strides = array<i32>} : memref<1x128xf32, #tpu.memory_space<vmem>>, vector<1x128xf32>,
    return
  }
}

module attributes {stable_mosaic.version = 14 : i64} {
  func.func @_edge_body(%arg0: i32, %arg1: memref<2560x128xf32, #tpu.memory_space<vmem>>, %arg2: memref<2560x128xf32, #tpu.memory_space<vmem>>, %arg3: memref<128x128xf32, #tpu.memory_space<vmem>>, %arg4: memref<1x128xf32, #tpu.memory_space<vmem>>, %arg5: memref<128x128xf32, #tpu.memory_space<vmem>>, %arg6: memref<1x128xf32, #tpu.memory_space<vmem>>, %arg7: memref<1x128xf32, #tpu.memory_space<vmem>>, %arg8: memref<2560x128xf32, #tpu.memory_space<vmem>>, %arg9: memref<1x1x2560xf32, #tpu.memory_space<vmem>>) attributes {dimension_semantics = [#tpu.dimension_semantics<arbitrary>], iteration_bounds = array<i64: 125>, scalar_prefetch = 0 : i64, scratch_operands = 0 : i64, tpu.core_type = #tpu.core_type<tc>, window_params = [{transform_indices = @transform_0, window_bounds = array<i64: 2560, 128>}, {transform_indices = @transform_1, window_bounds = array<i64: 2560, 128>}, {pipeline_mode = #tpu.pipeline_mode<synchronous>, transform_indices = @transform_2, window_bounds = array<i64: 128, 128>}, {pipeline_mode = #tpu.pipeline_mode<synchronous>, transform_indices = @transform_3, window_bounds = array<i64: 1, 128>}, {pipeline_mode = #tpu.pipeline_mode<synchronous>, transform_indices = @transform_4, window_bounds = array<i64: 128, 128>}, {pipeline_mode = #tpu.pipeline_mode<synchronous>, transform_indices = @transform_5, window_bounds = array<i64: 1, 128>}, {pipeline_mode = #tpu.pipeline_mode<synchronous>, transform_indices = @transform_6, window_bounds = array<i64: 1, 128>}, {transform_indices = @transform_7, window_bounds = array<i64: 2560, 128>}, {transform_indices = @transform_8, window_bounds = array<i64: 1, 1, 2560>}]} {
    %get3A = arith.constant 0 : index
    %get3A_0 = arith.constant 0 : index
    %get3A_1 = vector.load %arg1[%get3A, %get3A_0] : memref<2560x128xf32, #tpu.memory_space<vmem>>, vector<2560x128xf32>
    %get3A_2 = arith.constant 0 : index
    %get3A_3 = arith.constant 0 : index
    %get3A_4 = vector.load %arg3[%get3A_2, %get3A_3] : memref<128x128xf32, #tpu.memory_space<vmem>>, vector<128x128xf32>
    %dot_general3A = arith.constant dense<0.000000e+00> : vector<2560x128xf32>
    %dot_general3A_5 = tpu.matmul %get3A_1, %get3A_4, %dot_general3A {dimension_numbers = #tpu.dot_dimension_numbers<[1], [0], [0], [1], [0, 0, 1, 1], [], []>, transpose_lhs_hint = false} : vector<2560x128xf32>, vector<128x128xf32>, vector<2560x128xf32> -> vector<2560x128xf32>
    %get3A_6 = arith.constant 0 : index
    %get3A_7 = arith.constant 0 : index
    %get3A_8 = vector.load %arg2[%get3A_6, %get3A_7] : memref<2560x128xf32, #tpu.memory_space<vmem>>, vector<2560x128xf32>
    %add3A = arith.addf %dot_general3A_5, %get3A_8 : vector<2560x128xf32>
    %get3A_9 = arith.constant 0 : index
    %get3A_10 = arith.constant 0 : index
    %get3A_11 = vector.load %arg4[%get3A_9, %get3A_10] : memref<1x128xf32, #tpu.memory_space<vmem>>, vector<1x128xf32>
    %add3A_12 = vector.broadcast %get3A_11 : vector<1x128xf32> to vector<2560x128xf32>
    %add3A_13 = arith.addf %add3A, %add3A_12 : vector<2560x128xf32>
    %tanh3A = math.tanh %add3A_13 : vector<2560x128xf32>
    %get3A_14 = arith.constant 0 : index
    %get3A_15 = arith.constant 0 : index
    %get3A_16 = vector.load %arg5[%get3A_14, %get3A_15] : memref<128x128xf32, #tpu.memory_space<vmem>>, vector<128x128xf32>
    %dot_general3A_17 = arith.constant dense<0.000000e+00> : vector<2560x128xf32>
    %dot_general3A_18 = tpu.matmul %tanh3A, %get3A_16, %dot_general3A_17 {dimension_numbers = #tpu.dot_dimension_numbers<[1], [0], [0], [1], [0, 0, 1, 1], [], []>, transpose_lhs_hint = false} : vector<2560x128xf32>, vector<128x128xf32>, vector<2560x128xf32> -> vector<2560x128xf32>
    %get3A_19 = arith.constant 0 : index
    %get3A_20 = arith.constant 0 : index
    %get3A_21 = vector.load %arg6[%get3A_19, %get3A_20] : memref<1x128xf32, #tpu.memory_space<vmem>>, vector<1x128xf32>
    %add3A_22 = vector.broadcast %get3A_21 : vector<1x128xf32> to vector<2560x128xf32>
    %add3A_23 = arith.addf %dot_general3A_18, %add3A_22 : vector<2560x128xf32>
    %ge3A = arith.constant 0.000000e+00 : f32
    %ge3A_24 = vector.broadcast %ge3A : f32 to vector<2560x128xf32>
    %ge3A_25 = arith.cmpf oge, %add3A_23, %ge3A_24 : vector<2560x128xf32>
    %mul3A = arith.constant 0.00999999977 : f32
    %mul3A_26 = vector.broadcast %mul3A : f32 to vector<2560x128xf32>
    %mul3A_27 = arith.mulf %mul3A_26, %add3A_23 : vector<2560x128xf32>
    %select_n3A = arith.select %ge3A_25, %add3A_23, %mul3A_27 : vector<2560x128xi1>, vector<2560x128xf32>
    %get3A_28 = arith.constant 0 : index
    %get3A_29 = arith.constant 0 : index
    %get3A_30 = vector.load %arg7[%get3A_28, %get3A_29] : memref<1x128xf32, #tpu.memory_space<vmem>>, vector<1x128xf32>
    %mul3A_31 = vector.broadcast %get3A_30 : vector<1x128xf32> to vector<2560x128xf32>
    %mul3A_32 = arith.mulf %select_n3A, %mul3A_31 : vector<2560x128xf32>
    %reduce_sum3A = arith.constant dense<0.000000e+00> : vector<2560xf32>
    %reduce_sum3A_33 = vector.multi_reduction <add>, %mul3A_32, %reduce_sum3A [1] : vector<2560x128xf32> to vector<2560xf32>
    %broadcast_in_dim3A = vector.shape_cast %reduce_sum3A_33 : vector<2560xf32> to vector<2560x1xf32>
    %exp3A = math.exp %broadcast_in_dim3A : vector<2560x1xf32>
    %mul3A_34 = vector.broadcast %exp3A : vector<2560x1xf32> to vector<2560x128xf32>
    %mul3A_35 = arith.mulf %tanh3A, %mul3A_34 : vector<2560x128xf32>
    %swap3A = arith.constant 0 : index
    %swap3A_36 = arith.constant 0 : index
    %swap3A_37 = vector.load %arg8[%swap3A, %swap3A_36] : memref<2560x128xf32, #tpu.memory_space<vmem>>, vector<2560x128xf32>
    tpu.vector_store %arg8[%swap3A, %swap3A_36], %mul3A_35 {strides = array<i32>} : memref<2560x128xf32, #tpu.memory_space<vmem>>, vector<2560x128xf32>,
    %get3A_38 = arith.constant 0 : index
    %get3A_39 = arith.constant 0 : index
    %get3A_40 = vector.load %arg7[%get3A_38, %get3A_39] : memref<1x128xf32, #tpu.memory_space<vmem>>, vector<1x128xf32>
    %dot_general3A_41 = arith.constant dense<0.000000e+00> : vector<1x2560xf32>
    %dot_general3A_42 = tpu.matmul %get3A_40, %select_n3A, %dot_general3A_41 {dimension_numbers = #tpu.dot_dimension_numbers<[1], [1], [0], [0], [0, 0, 1, 0], [], []>, transpose_lhs_hint = false} : vector<1x128xf32>, vector<2560x128xf32>, vector<1x2560xf32> -> vector<1x2560xf32>
    %exp3A_43 = math.exp %dot_general3A_42 : vector<1x2560xf32>
    %broadcast_in_dim3A_44 = vector.shape_cast %exp3A_43 : vector<1x2560xf32> to vector<1x1x2560xf32>
    %swap3A_45 = arith.constant 0 : index
    %swap3A_46 = arith.constant 0 : index
    %swap3A_47 = arith.constant 0 : index
    %swap3A_48 = vector.load %arg9[%swap3A_45, %swap3A_46, %swap3A_47] : memref<1x1x2560xf32, #tpu.memory_space<vmem>>, vector<1x1x2560xf32>
    tpu.vector_store %arg9[%swap3A_45, %swap3A_46, %swap3A_47], %broadcast_in_dim3A_44 {strides = array<i32>} : memref<1x1x2560xf32, #tpu.memory_space<vmem>>, vector<1x1x2560xf32>,
    return
  }
  func.func @transform_0(%arg0: i32) -> (i32, i32) {
    %c0_i32 = arith.constant 0 : i32
    %c0_i32_0 = arith.constant 0 : i32
    return %arg0, %c0_i32 : i32, i32
  }
  func.func @transform_1(%arg0: i32) -> (i32, i32) {
    %c0_i32 = arith.constant 0 : i32
    %c0_i32_0 = arith.constant 0 : i32
    return %arg0, %c0_i32 : i32, i32
  }
  func.func @transform_2(%arg0: i32) -> (i32, i32) {
    %c0_i32 = arith.constant 0 : i32
    %c0_i32_0 = arith.constant 0 : i32
    %c0_i32_1 = arith.constant 0 : i32
    return %c0_i32, %c0_i32_0 : i32, i32
  }
  func.func @transform_3(%arg0: i32) -> (i32, i32) {
    %c0_i32 = arith.constant 0 : i32
    %c0_i32_0 = arith.constant 0 : i32
    %c0_i32_1 = arith.constant 0 : i32
    return %c0_i32, %c0_i32_0 : i32, i32
  }
  func.func @transform_4(%arg0: i32) -> (i32, i32) {
    %c0_i32 = arith.constant 0 : i32
    %c0_i32_0 = arith.constant 0 : i32
    %c0_i32_1 = arith.constant 0 : i32
    return %c0_i32, %c0_i32_0 : i32, i32
  }
  func.func @transform_5(%arg0: i32) -> (i32, i32) {
    %c0_i32 = arith.constant 0 : i32
    %c0_i32_0 = arith.constant 0 : i32
    %c0_i32_1 = arith.constant 0 : i32
    return %c0_i32, %c0_i32_0 : i32, i32
  }
  func.func @transform_6(%arg0: i32) -> (i32, i32) {
    %c0_i32 = arith.constant 0 : i32
    %c0_i32_0 = arith.constant 0 : i32
    %c0_i32_1 = arith.constant 0 : i32
    return %c0_i32, %c0_i32_0 : i32, i32
  }
  func.func @transform_7(%arg0: i32) -> (i32, i32) {
    %c0_i32 = arith.constant 0 : i32
    %c0_i32_0 = arith.constant 0 : i32
    return %arg0, %c0_i32 : i32, i32
  }
  func.func @transform_8(%arg0: i32) -> (i32, i32, i32) {
    %c0_i32 = arith.constant 0 : i32
    %c0_i32_0 = arith.constant 0 : i32
    %c0_i32_1 = arith.constant 0 : i32
    return %arg0, %c0_i32, %c0_i32_0 : i32, i32, i32
  }
}

module attributes {stable_mosaic.version = 14 : i64} {
  func.func @_node_body(%arg0: i32, %arg1: memref<2000x128xf32, #tpu.memory_space<vmem>>, %arg2: memref<2x2000x128xf32, #tpu.memory_space<vmem>>, %arg3: memref<2x2000x1xf32, #tpu.memory_space<vmem>>, %arg4: memref<128x128xf32, #tpu.memory_space<vmem>>, %arg5: memref<1x128xf32, #tpu.memory_space<vmem>>, %arg6: memref<1x128xf32, #tpu.memory_space<vmem>>, %arg7: memref<1x128xf32, #tpu.memory_space<vmem>>, %arg8: memref<2000x128xf32, #tpu.memory_space<vmem>>) attributes {dimension_semantics = [#tpu.dimension_semantics<arbitrary>], iteration_bounds = array<i64: 5>, scalar_prefetch = 0 : i64, scratch_operands = 0 : i64, tpu.core_type = #tpu.core_type<tc>, window_params = [{transform_indices = @transform_0, window_bounds = array<i64: 2000, 128>}, {transform_indices = @transform_1, window_bounds = array<i64: 2, 2000, 128>}, {transform_indices = @transform_2, window_bounds = array<i64: 2, 2000, 1>}, {pipeline_mode = #tpu.pipeline_mode<synchronous>, transform_indices = @transform_3, window_bounds = array<i64: 128, 128>}, {pipeline_mode = #tpu.pipeline_mode<synchronous>, transform_indices = @transform_4, window_bounds = array<i64: 1, 128>}, {pipeline_mode = #tpu.pipeline_mode<synchronous>, transform_indices = @transform_5, window_bounds = array<i64: 1, 128>}, {pipeline_mode = #tpu.pipeline_mode<synchronous>, transform_indices = @transform_6, window_bounds = array<i64: 1, 128>}, {transform_indices = @transform_7, window_bounds = array<i64: 2000, 128>}]} {
    %get3A = arith.constant 0 : index
    %get3A_0 = arith.constant 0 : index
    %get3A_1 = vector.load %arg1[%get3A, %get3A_0] : memref<2000x128xf32, #tpu.memory_space<vmem>>, vector<2000x128xf32>
    %get3A_2 = arith.constant 0 : index
    %get3A_3 = arith.constant 0 : index
    %get3A_4 = arith.constant 0 : index
    %get3A_5 = vector.load %arg2[%get3A_2, %get3A_3, %get3A_4] : memref<2x2000x128xf32, #tpu.memory_space<vmem>>, vector<1x2000x128xf32>
    %get3A_6 = vector.shape_cast %get3A_5 : vector<1x2000x128xf32> to vector<2000x128xf32>
    %get3A_7 = arith.constant 1 : index
    %get3A_8 = arith.constant 0 : index
    %get3A_9 = arith.constant 0 : index
    %get3A_10 = vector.load %arg2[%get3A_7, %get3A_8, %get3A_9] : memref<2x2000x128xf32, #tpu.memory_space<vmem>>, vector<1x2000x128xf32>
    %get3A_11 = vector.shape_cast %get3A_10 : vector<1x2000x128xf32> to vector<2000x128xf32>
    %add3A = arith.addf %get3A_6, %get3A_11 : vector<2000x128xf32>
    %get3A_12 = arith.constant 0 : index
    %get3A_13 = arith.constant 0 : index
    %get3A_14 = arith.constant 0 : index
    %get3A_15 = vector.load %arg3[%get3A_12, %get3A_13, %get3A_14] : memref<2x2000x1xf32, #tpu.memory_space<vmem>>, vector<1x2000x1xf32>
    %get3A_16 = vector.shape_cast %get3A_15 : vector<1x2000x1xf32> to vector<2000x1xf32>
    %get3A_17 = arith.constant 1 : index
    %get3A_18 = arith.constant 0 : index
    %get3A_19 = arith.constant 0 : index
    %get3A_20 = vector.load %arg3[%get3A_17, %get3A_18, %get3A_19] : memref<2x2000x1xf32, #tpu.memory_space<vmem>>, vector<1x2000x1xf32>
    %get3A_21 = vector.shape_cast %get3A_20 : vector<1x2000x1xf32> to vector<2000x1xf32>
    %add3A_22 = arith.addf %get3A_16, %get3A_21 : vector<2000x1xf32>
    %gt3A = arith.constant 0.000000e+00 : f32
    %gt3A_23 = vector.broadcast %gt3A : f32 to vector<2000x1xf32>
    %gt3A_24 = arith.cmpf ogt, %add3A_22, %gt3A_23 : vector<2000x1xf32>
    %div3A = arith.constant 1.000000e+00 : f32
    %div3A_25 = vector.broadcast %div3A : f32 to vector<2000x1xf32>
    %div3A_26 = arith.divf %div3A_25, %add3A_22 : vector<2000x1xf32>
    %jit3A = arith.constant 0.000000e+00 : f32
    %broadcast_in_dim3A = vector.broadcast %jit3A : f32 to vector<2000x1xf32>
    %select_n3A = arith.select %gt3A_24, %div3A_26, %broadcast_in_dim3A : vector<2000x1xi1>, vector<2000x1xf32>
    %mul3A = vector.broadcast %select_n3A : vector<2000x1xf32> to vector<2000x128xf32>
    %mul3A_27 = arith.mulf %add3A, %mul3A : vector<2000x128xf32>
    %get3A_28 = arith.constant 0 : index
    %get3A_29 = arith.constant 0 : index
    %get3A_30 = vector.load %arg7[%get3A_28, %get3A_29] : memref<1x128xf32, #tpu.memory_space<vmem>>, vector<1x128xf32>
    %get3A_31 = arith.constant 0 : index
    %get3A_32 = arith.constant 0 : index
    %get3A_33 = vector.load %arg4[%get3A_31, %get3A_32] : memref<128x128xf32, #tpu.memory_space<vmem>>, vector<128x128xf32>
    %dot_general3A = arith.constant dense<0.000000e+00> : vector<2000x128xf32>
    %dot_general3A_34 = tpu.matmul %get3A_1, %get3A_33, %dot_general3A {dimension_numbers = #tpu.dot_dimension_numbers<[1], [0], [0], [1], [0, 0, 1, 1], [], []>, transpose_lhs_hint = false} : vector<2000x128xf32>, vector<128x128xf32>, vector<2000x128xf32> -> vector<2000x128xf32>
    %get3A_35 = arith.constant 0 : index
    %get3A_36 = arith.constant 0 : index
    %get3A_37 = vector.load %arg5[%get3A_35, %get3A_36] : memref<1x128xf32, #tpu.memory_space<vmem>>, vector<1x128xf32>
    %add3A_38 = vector.broadcast %get3A_37 : vector<1x128xf32> to vector<2000x128xf32>
    %add3A_39 = arith.addf %dot_general3A_34, %add3A_38 : vector<2000x128xf32>
    %ge3A = arith.constant 0.000000e+00 : f32
    %ge3A_40 = vector.broadcast %ge3A : f32 to vector<2000x128xf32>
    %ge3A_41 = arith.cmpf oge, %add3A_39, %ge3A_40 : vector<2000x128xf32>
    %mul3A_42 = arith.constant 0.00999999977 : f32
    %mul3A_43 = vector.broadcast %mul3A_42 : f32 to vector<2000x128xf32>
    %mul3A_44 = arith.mulf %mul3A_43, %add3A_39 : vector<2000x128xf32>
    %select_n3A_45 = arith.select %ge3A_41, %add3A_39, %mul3A_44 : vector<2000x128xi1>, vector<2000x128xf32>
    %mul3A_46 = vector.broadcast %get3A_30 : vector<1x128xf32> to vector<2000x128xf32>
    %mul3A_47 = arith.mulf %select_n3A_45, %mul3A_46 : vector<2000x128xf32>
    %reduce_sum3A = arith.constant dense<0.000000e+00> : vector<2000xf32>
    %reduce_sum3A_48 = vector.multi_reduction <add>, %mul3A_47, %reduce_sum3A [1] : vector<2000x128xf32> to vector<2000xf32>
    %broadcast_in_dim3A_49 = vector.shape_cast %reduce_sum3A_48 : vector<2000xf32> to vector<2000x1xf32>
    %get3A_50 = arith.constant 0 : index
    %get3A_51 = arith.constant 0 : index
    %get3A_52 = vector.load %arg4[%get3A_50, %get3A_51] : memref<128x128xf32, #tpu.memory_space<vmem>>, vector<128x128xf32>
    %dot_general3A_53 = arith.constant dense<0.000000e+00> : vector<2000x128xf32>
    %dot_general3A_54 = tpu.matmul %mul3A_27, %get3A_52, %dot_general3A_53 {dimension_numbers = #tpu.dot_dimension_numbers<[1], [0], [0], [1], [0, 0, 1, 1], [], []>, transpose_lhs_hint = false} : vector<2000x128xf32>, vector<128x128xf32>, vector<2000x128xf32> -> vector<2000x128xf32>
    %get3A_55 = arith.constant 0 : index
    %get3A_56 = arith.constant 0 : index
    %get3A_57 = vector.load %arg6[%get3A_55, %get3A_56] : memref<1x128xf32, #tpu.memory_space<vmem>>, vector<1x128xf32>
    %add3A_58 = vector.broadcast %get3A_57 : vector<1x128xf32> to vector<2000x128xf32>
    %add3A_59 = arith.addf %dot_general3A_54, %add3A_58 : vector<2000x128xf32>
    %ge3A_60 = arith.constant 0.000000e+00 : f32
    %ge3A_61 = vector.broadcast %ge3A_60 : f32 to vector<2000x128xf32>
    %ge3A_62 = arith.cmpf oge, %add3A_59, %ge3A_61 : vector<2000x128xf32>
    %mul3A_63 = arith.constant 0.00999999977 : f32
    %mul3A_64 = vector.broadcast %mul3A_63 : f32 to vector<2000x128xf32>
    %mul3A_65 = arith.mulf %mul3A_64, %add3A_59 : vector<2000x128xf32>
    %select_n3A_66 = arith.select %ge3A_62, %add3A_59, %mul3A_65 : vector<2000x128xi1>, vector<2000x128xf32>
    %mul3A_67 = vector.broadcast %get3A_30 : vector<1x128xf32> to vector<2000x128xf32>
    %mul3A_68 = arith.mulf %select_n3A_66, %mul3A_67 : vector<2000x128xf32>
    %reduce_sum3A_69 = arith.constant dense<0.000000e+00> : vector<2000xf32>
    %reduce_sum3A_70 = vector.multi_reduction <add>, %mul3A_68, %reduce_sum3A_69 [1] : vector<2000x128xf32> to vector<2000xf32>
    %broadcast_in_dim3A_71 = vector.shape_cast %reduce_sum3A_70 : vector<2000xf32> to vector<2000x1xf32>
    %max3A = arith.maximumf %broadcast_in_dim3A_49, %broadcast_in_dim3A_71 : vector<2000x1xf32>
    %sub3A = arith.subf %broadcast_in_dim3A_49, %max3A : vector<2000x1xf32>
    %exp3A = math.exp %sub3A : vector<2000x1xf32>
    %sub3A_72 = arith.subf %broadcast_in_dim3A_71, %max3A : vector<2000x1xf32>
    %exp3A_73 = math.exp %sub3A_72 : vector<2000x1xf32>
    %add3A_74 = arith.addf %exp3A, %exp3A_73 : vector<2000x1xf32>
    %div3A_75 = arith.divf %exp3A, %add3A_74 : vector<2000x1xf32>
    %mul3A_76 = vector.broadcast %div3A_75 : vector<2000x1xf32> to vector<2000x128xf32>
    %mul3A_77 = arith.mulf %mul3A_76, %get3A_1 : vector<2000x128xf32>
    %sub3A_78 = arith.constant 1.000000e+00 : f32
    %sub3A_79 = vector.broadcast %sub3A_78 : f32 to vector<2000x1xf32>
    %sub3A_80 = arith.subf %sub3A_79, %div3A_75 : vector<2000x1xf32>
    %mul3A_81 = vector.broadcast %sub3A_80 : vector<2000x1xf32> to vector<2000x128xf32>
    %mul3A_82 = arith.mulf %mul3A_81, %mul3A_27 : vector<2000x128xf32>
    %add3A_83 = arith.addf %mul3A_77, %mul3A_82 : vector<2000x128xf32>
    %swap3A = arith.constant 0 : index
    %swap3A_84 = arith.constant 0 : index
    %swap3A_85 = vector.load %arg8[%swap3A, %swap3A_84] : memref<2000x128xf32, #tpu.memory_space<vmem>>, vector<2000x128xf32>
    tpu.vector_store %arg8[%swap3A, %swap3A_84], %add3A_83 {strides = array<i32>} : memref<2000x128xf32, #tpu.memory_space<vmem>>, vector<2000x128xf32>,
    return
  }
  func.func @transform_0(%arg0: i32) -> (i32, i32) {
    %c0_i32 = arith.constant 0 : i32
    %c0_i32_0 = arith.constant 0 : i32
    return %arg0, %c0_i32 : i32, i32
  }
  func.func @transform_1(%arg0: i32) -> (i32, i32, i32) {
    %c0_i32 = arith.constant 0 : i32
    %c0_i32_0 = arith.constant 0 : i32
    %c0_i32_1 = arith.constant 0 : i32
    return %c0_i32, %arg0, %c0_i32_0 : i32, i32, i32
  }
  func.func @transform_2(%arg0: i32) -> (i32, i32, i32) {
    %c0_i32 = arith.constant 0 : i32
    %c0_i32_0 = arith.constant 0 : i32
    %c0_i32_1 = arith.constant 0 : i32
    return %c0_i32, %arg0, %c0_i32_0 : i32, i32, i32
  }
  func.func @transform_3(%arg0: i32) -> (i32, i32) {
    %c0_i32 = arith.constant 0 : i32
    %c0_i32_0 = arith.constant 0 : i32
    %c0_i32_1 = arith.constant 0 : i32
    return %c0_i32, %c0_i32_0 : i32, i32
  }
  func.func @transform_4(%arg0: i32) -> (i32, i32) {
    %c0_i32 = arith.constant 0 : i32
    %c0_i32_0 = arith.constant 0 : i32
    %c0_i32_1 = arith.constant 0 : i32
    return %c0_i32, %c0_i32_0 : i32, i32
  }
  func.func @transform_5(%arg0: i32) -> (i32, i32) {
    %c0_i32 = arith.constant 0 : i32
    %c0_i32_0 = arith.constant 0 : i32
    %c0_i32_1 = arith.constant 0 : i32
    return %c0_i32, %c0_i32_0 : i32, i32
  }
  func.func @transform_6(%arg0: i32) -> (i32, i32) {
    %c0_i32 = arith.constant 0 : i32
    %c0_i32_0 = arith.constant 0 : i32
    %c0_i32_1 = arith.constant 0 : i32
    return %c0_i32, %c0_i32_0 : i32, i32
  }
  func.func @transform_7(%arg0: i32) -> (i32, i32) {
    %c0_i32 = arith.constant 0 : i32
    %c0_i32_0 = arith.constant 0 : i32
    return %arg0, %c0_i32 : i32, i32
  }
}

</mosaic_0001>

<sc_bundles>
// kernel: kernel.10.cloned.1.call-start
scs
__scs_entry_jumppad:
0x0: {  	(pc) =	sbr.rel $0x88, $3  }
0x1: {  	(tag) =	ssettag $0x0;
	lr =	simm.s32 $0x1  }
0x2: {  	[smem:$0x3F91] =	sst lr;
	_ =	strace $0xD0000000  }
0x3: {  	_ = 	snop  }
0x4: {  	_ = 	snop  }
0x5: {  	_ = 	snop  }
0x6: {  	_ = 	snop  }
0x7: {  	_ = 	snop  }
__scs_overlays_trampoline_lowered:
0x8: {  	[smem:$0x3FA0] =	sst s0  }
0x9: {  	[smem:$0x3FA1] =	sst s1  }
0xa: {  	[smem:$0x3FA2] =	sst s2  }
0xb: {  	[smem:$0x3FA3] =	sst s3  }
0xc: {  	[smem:$0x3FA4] =	sst s4  }
0xd: {  	[smem:$0x3FA5] =	sst s5  }
0xe: {  	[smem:$0x3FA6] =	sst s6  }
0xf: {  	[smem:$0x3FA7] =	sst s7  }
0x10: {  	[smem:$0x3FA8] =	sst s8  }
0x11: {  	[smem:$0x3FA9] =	sst s9;
	s0 =	simm.s32 @!p0 $0x0  }
0x12: {  	s1 =	sld [smem:$0x3F8F];
	s0 =	simm.s32 @p0 $0x1  }
0x13: {  	[smem:$0x3FAA] =	sst s0;
	s0 =	simm.s32 @!p1 $0x0  }
0x14: {  	s2 =	sld [smem:$0x3F8E];
	s0 =	simm.s32 @p1 $0x1  }
0x15: {  	[smem:$0x3FAB] =	sst s0;
	s0 =	simm.s32 @!p2 $0x0  }
0x16: {  	s3 =	sld [smem:$0x3FDB];
	s0 =	simm.s32 @p2 $0x1  }
0x17: {  	s4 =	simm.s32 $0x1BF5;
	[smem:$0x3FAD] =	sst s0  }
0x18: {  	s0 =	sld [smem:$0x3F90];
	_ =	swait.ge [sflag:s4], $0x0  }
0x19: {  	s7 =	sld [smem:$0x3F91]  }
0x1a: {  	s8 =	sadd.s32 $0xFFFFE003, lr  }
0x1b: {  	s9 =	sadd.s32 $0xFFFFFEF7, lr;
	s5 =	simm.s32 $0xFFFFFFFF;
	p2 =	slt.u32 s8, $0xFFFFF086  }
0x1c: {  	p1 =	slt.u32 s9, $0xF7A;
	s5 =	simm.s32 @!p2 $0x0  }
0x1d: {  	s5 =	simm.s32 @p1 $0x1;
	p0 =	seq.s32 s7, s2  }
0x1e: {  	s7 =	smul.u32 @!p0 $0xF7A, s2;
	p2 =	seq.s32 @!p0 s5, $0x0  }
0x1f: {  	s9 =	smul.u32 $0xF7A, s1;
	s8 =	simm.s32 @!p0 $0x1BF5;
	p2 =	por !p2, p0  }
0x20: {  	[sflag:s8] =	ssyncset.s32 @!p0 $0xFFFFF086;
	s6 =	sadd.s32 @!p0 s3, s7;
	s7 =	simm.s32 @!p0 $0x108  }
0x21: {  	s3 =	sadd.s32 s3, s9;
	s6 =	sadd.s32 @!p0 $0x88, s6;
	s7 =	simm.s32 @p2 $0x1082  }
0x22: {  	[simem:s7], [sflag:s8] =	dma.local @!p0 [hbm:s6], $0xF7A  }
0x23: {  	s9 =	sor.u32 $0xD0000000, s2;
	s6 =	simm.s32 $0x108;
	_ =	swait.ge @!p0 [sflag:s8], $0x0  }
0x24: {  	s3 =	sadd.s32 $0x88, s3;
	s6 =	simm.s32 @!p1 $0x1082;
	[sflag:s4] =	ssyncset.s32 $0xFFFFF086  }
0x25: {  	[simem:s6], [sflag:s4] =	dma.local [hbm:s3], $0xF7A  }
0x26: {  	[smem:$0x3F91] =	sst s1;
	(tag) =	ssettag s2;
	_ =	strace s9  }
0x27: {  	s1 =	sld [smem:$0x3FA1]  }
0x28: {  	s2 =	sld [smem:$0x3FA2]  }
0x29: {  	s4 =	sld [smem:$0x3FA4]  }
0x2a: {  	p0 =	seq.s32 s5, $0x0;
	s5 =	sld [smem:$0x3FA5]  }
0x2b: {  	s6 =	sld [smem:$0x3FA6]  }
0x2c: {  	s7 =	sld [smem:$0x3FA7]  }
0x2d: {  	s3 =	simm.s32 $0x108;
	s8 =	sld [smem:$0x3FA8]  }
0x2e: {  	s3 =	simm.s32 @!p0 $0x1082;
	s9 =	sld [smem:$0x3FA9]  }
0x2f: {  	lr =	sadd.s32 s0, s3;
	s0 =	sld [smem:$0x3FA0]  }
0x30: {  	s3 =	sld [smem:$0x3FA3]  }
0x31: {  	[smem:$0x3FAC] =	sst s10  }
0x32: {  	s10 =	sld [smem:$0x3FAA];
	_ =	sdelay $0x3  }
0x33: {  	p0 =	seq.s32 s10, $0x1;
	s10 =	sld [smem:$0x3FAC];
	_ =	sdelay $0x3  }
0x34: {  	[smem:$0x3FAC] =	sst s10  }
0x35: {  	s10 =	sld [smem:$0x3FAB];
	_ =	sdelay $0x3  }
0x36: {  	p1 =	seq.s32 s10, $0x1;
	s10 =	sld [smem:$0x3FAC];
	_ =	sdelay $0x3  }
0x37: {  	[smem:$0x3FAC] =	sst s10  }
0x38: {  	s10 =	sld [smem:$0x3FAD]  }
0x39: {  	_ = 	snop;
	(pc) =	sbr.ind lr, $3  }
0x3a: {  	_ = 	snop  }
0x3b: {  	_ = 	snop  }
0x3c: {  	p2 =	seq.s32 s10, $0x1;
	s10 =	sld [smem:$0x3FAC]  }
0x3d: {  	_ =	shalt  }
0x3e: {  	_ =	shalt  }
0x3f: {  	_ =	shalt  }
0x40: {  	_ =	shalt  }
0x41: {  	_ =	shalt  }
0x42: {  	_ =	shalt  }
0x43: {  	_ =	shalt  }
0x44: {  	_ =	shalt  }
0x45: {  	_ =	shalt  }
0x46: {  	_ =	shalt  }
0x47: {  	_ =	shalt  }
0x48: {  	_ =	shalt  }
0x49: {  	_ =	shalt  }
0x4a: {  	_ =	shalt  }
0x4b: {  	_ =	shalt  }
0x4c: {  	_ =	shalt  }
0x4d: {  	_ =	shalt  }
0x4e: {  	_ =	shalt  }
0x4f: {  	_ =	shalt  }
0x50: {  	_ =	shalt  }
0x51: {  	_ =	shalt  }
0x52: {  	_ =	shalt  }
0x53: {  	_ =	shalt  }
0x54: {  	_ =	shalt  }
0x55: {  	_ =	shalt  }
0x56: {  	_ =	shalt  }
0x57: {  	_ =	shalt  }
0x58: {  	_ =	shalt  }
0x59: {  	_ =	shalt  }
0x5a: {  	_ =	shalt  }
0x5b: {  	_ =	shalt  }
0x5c: {  	_ =	shalt  }
0x5d: {  	_ =	shalt  }
0x5e: {  	_ =	shalt  }
0x5f: {  	_ =	shalt  }
0x60: {  	_ =	shalt  }
0x61: {  	_ =	shalt  }
0x62: {  	_ =	shalt  }
0x63: {  	_ =	shalt  }
0x64: {  	_ =	shalt  }
0x65: {  	_ =	shalt  }
0x66: {  	_ =	shalt  }
0x67: {  	_ =	shalt  }
0x68: {  	_ =	shalt  }
0x69: {  	_ =	shalt  }
0x6a: {  	_ =	shalt  }
0x6b: {  	_ =	shalt  }
0x6c: {  	_ =	shalt  }
0x6d: {  	_ =	shalt  }
0x6e: {  	_ =	shalt  }
0x6f: {  	_ =	shalt  }
0x70: {  	_ =	shalt  }
0x71: {  	_ =	shalt  }
0x72: {  	_ =	shalt  }
0x73: {  	_ =	shalt  }
0x74: {  	_ =	shalt  }
0x75: {  	_ =	shalt  }
0x76: {  	_ =	shalt  }
0x77: {  	_ =	shalt  }
0x78: {  	_ =	shalt  }
0x79: {  	_ =	shalt  }
0x7a: {  	_ =	shalt  }
0x7b: {  	_ =	shalt  }
0x7c: {  	_ =	shalt  }
0x7d: {  	_ =	shalt  }
0x7e: {  	_ =	shalt  }
0x7f: {  	_ =	shalt  }
0x80: {  	_ =	shalt  }
0x81: {  	_ =	shalt  }
0x82: {  	_ =	shalt  }
0x83: {  	_ =	shalt  }
0x84: {  	_ =	shalt  }
0x85: {  	_ =	shalt  }
0x86: {  	_ =	shalt  }
0x87: {  	_ =	shalt  }
.Lfunc_end0:
.L_simem_size_0:
called_computation.1_lowered:
.L_overlay_start_0:
0x88: {  	s2 =	sld [smem:$0x3FD9]  }
0x89: {  	s3 =	sld [smem:$0x3FFE];
	_ =	sdelay $0x1  }
0x8a: {  	s1 =	srdreg.scid  }
0x8b: {  	s0 =	sand.u32 $0x1, s1  }
0x8c: {  	s14 =	sshll.u32 s0, $0xA;
	s2 =	sadd.s32 s3, s2  }
0x8d: {  	s2 =	sadd.s32 s2, s14  }
0x8e: {  	[smem:$0x3FB8] =	sst s2  }
0x8f: {  	_ = 	snop  }
0x90: {  	s2 =	sld [smem:$0x3FD0];
	_ =	sdelay $0x2  }
0x91: {  	s15 =	simm.s32 $0xA;
	s4 =	simm.s32 $0x10  }
0x92: {  	[smem:s4], [sflag:s15] =	dma.local [hbm:s2], $0x1  }
0x93: {  	_ =	swait.eq [sflag:s15], $0x1  }
0x94: {  	[sflag:s15] =	ssyncset.done $0x0  }
0x95: {  	[sflag:s15] =	ssyncadd.s32 $0xFFFFFFFF  }
0x96: {  	s16 =	sld [smem:$0x10];
	(tm) =	ssettm $0x1  }
0x97: {  	s17 =	sld [smem:$0x3FFB];
	_ =	sdelay $0x3  }
0x98: {  	_ =	strace s17  }
0x99: {  	s3 =	sld [smem:$0x3FFC];
	_ =	sdelay $0x3  }
0x9a: {  	_ =	strace s3  }
0x9b: {  	s3 =	sld [smem:$0x3FFD];
	_ =	sdelay $0x3  }
0x9c: {  	_ =	strace s3  }
0x9d: {  	_ =	strace $0x8FFFFFFF  }
0x9e: {  	s18 =	sld [smem:$0x3FDB];
	_ =	sdelay $0x1  }
0x9f: {  	s19 =	simm.s32 $_scs_section_size  }
0xa0: {  	s5 =	simm.s32 $_size__tile_overlayer_lowered;
	s6 =	simm.s32 $_tile_overlayer_lowered  }
0xa1: {  	s22 =	simm.s32 $0x1BFF;
	s21 =	sshll.u32 s6, $0x1;
	s3 =	sadd.s32 s19, s18  }
0xa2: {  	s7 =	simm.s32 $0x0;
	s20 =	sshll.u32 s5, $0x1;
	s5 =	sadd.s32 s21, s3  }
0xa3: {  	[timem:s7], [sflag:s22] =	dma.local [hbm:s5], s20  }
0xa4: {  	_ =	swait.ge [sflag:s22], s20  }
0xa5: {  	s4 =	ssub.s32 $0x0, s20;
	[sflag:s22] =	ssyncset.done $0x0  }
0xa6: {  	[sflag:s22] =	ssyncadd.s32 s4;
	_ =	sdelay $0x1  }
0xa7: {  	s23 =	simm.s32 $0x1B8B  }
0xa8: {  	_ =	swait.ge [sflag:s23], $0x1  }
0xa9: {  	[sflag:s23] =	ssyncset.done $0x0  }
0xaa: {  	s25 =	simm.s32 $0x1B8E;
	s24 =	sld [smem:$0x3FFE];
	[sflag:s23] =	ssyncadd.s32 $0xFFFFFFFF  }
0xab: {  	s26 =	simm.s32 $execute0_lowered;
	[smem:$0x3FD2] =	sst s25  }
0xac: {  	s5 =	sshll.u32 s26, $0x1;
	_ =	strace $0x80000049;
	[dreg:$0x1] =	wrdreg $0xFFFFFFFF  }
0xad: {  	s28 =	simm.s32 $_size_execute0_lowered;
	s3 =	sadd.s32 s3, s5;
	[dreg:$0x0] =	wrdreg $0x0  }
0xae: {  	s5 =	sshll.u32 s28, $0x1;
	[dreg:$0x2] =	wrdreg s3  }
0xaf: {  	[dreg:$0x3] =	wrdreg s5  }
0xb0: {  	[dreg:$0x4] =	wrdreg $0xC0  }
0xb1: {  	_ =	task [dreg:s7], $0x5FFFF  }
0xb2: {  	[dreg:$0x1] =	wrdreg $0xFFFFFFFF  }
0xb3: {  	[dreg:$0x0] =	wrdreg $0x60  }
0xb4: {  	[dreg:$0x2] =	wrdreg s24  }
0xb5: {  	[dreg:$0x3] =	wrdreg s16  }
0xb6: {  	[dreg:$0x4] =	wrdreg $0x66800  }
0xb7: {  	[dreg:$0x5] =	wrdreg $0x1A6800  }
0xb8: {  	[dreg:$0x6] =	wrdreg $0x9  }
0xb9: {  	_ =	task.clear_ibuf [dreg:s7], $0x7FFFF;
	_ =	strace $0x90000049  }
0xba: {  	s29 =	simm.s32 $0x9;
	_ =	strace $0x8000004B  }
0xbb: {  	_ =	swait.ge [sflag:s29], $0x1  }
0xbc: {  	[sflag:s29] =	ssyncadd.s32 $0xFFFFFFFF  }
0xbd: {  	_ =	strace $0x9000004B  }
0xbe: {  	_ =	sfence  }
0xbf: {  	s30 =	sld [smem:$0x0];
	_ =	sdelay $0x2  }
0xc0: {  	s31 =	sshll.u32 s1, $0xD;
	s1 =	sshrl.u32 s1, $0x2  }
0xc1: {  	s3 =	sand.u32 $0x4000, s31;
	s1 =	sadd.s32 s1, s30  }
0xc2: {  	s0 =	sor.u32 s3, s0;
	s1 =	sshll.u32 s1, $0x11  }
0xc3: {  	s0 =	sor.u32 s1, s0  }
0xc4: {  	s0 =	sadd.s32 $0x8F2B, s0  }
0xc5: {  	[sflag:s0] =	ssyncadd.remote.s32 $0x1  }
0xc6: {  	_ =	sfence.sel $0xFFFF  }
0xc7: {  	[dreg:$0x0] =	wrdreg $0xFFFFFFFF;
	(pc) =	sbr.abs _section_cstart, $3  }
0xc8: {  	[dreg:$0x1] =	wrdreg $0xFFFFFFFF  }
0xc9: {  	_ =	task.clear_ibuf [dreg:s7], $0x2FFFF;
	_ =	strace $0x9FFFFFFF  }
0xca: {  	(tm) =	ssettm $0x7FFFFFFF  }
0xcb: {  	_ =	shalt  }
tec
execute0_lowered:
.L_overlay_start_1:
0x0: {  	(tag) =	ssettag $0x1  }
0x1: {  	s0 =	rddreg [dreg:$0x0]  }
0x2: {  	s1 =	rddreg [dreg:$0x1]  }
0x3: {  	s2 =	rddreg [dreg:$0x2]  }
0x4: {  	s3 =	rddreg [dreg:$0x3];
	s4 =	simm.s32 $0x0;
	s14 =	stileid.u32  }
0x5: {  	s5 =	srdreg.scid;
	s28 =	simm.s32 $0x100;
	s8 =	smul.u32 $0x280, s14  }
0x6: {  	s29 =	simm.s32 $0x5100;
	s30 =	simm.s32 $0x80;
	s19 =	smul.u32 $0x2710, s14  }
0x7: {  	s31 =	simm.s32 $0x2900;
	s5 =	sand.u32 $0x1, s5;
	s17 =	smul.u32 $0x50000, s14  }
0x8: {  	[smem:$0x7FF] =	sst s4;
	s9 =	sadd.s32 $0x9E0800, s0;
	s7 =	smul.u32 $0x28000, s5  }
0x9: {  	s6 =	sadd.s32 $0x9D6A00, s0;
	s12 =	sadd.s32 $0x4800, s0;
	s10 =	smul.u32 $0x2800, s5  }
0xa: {  	s18 =	sadd.s32 $0x4C00, s0;
	_ =	strace $0x8000004A;
	s11 =	smul.u32 $0x27100, s5  }
0xb: {  	[dreg:$0x6] =	wrdreg s18;
	s20 =	ssub.s32 $0x2, s5;
	s18 =	smul.u32 $0xA00, s14  }
0xc: {  	[dreg:$0x5] =	wrdreg s12;
	s5 =	smul.u32 $0x271000, s5;
	s13 =	sshrl.u32 s20, $0x1  }
0xd: {  	s7 =	sadd.s32 s7, s0;
	s8 =	sadd.s32 s10, s8;
	s11 =	sadd.s32 s19, s11  }
0xe: {  	s21 =	ssub.s32 s20, s13;
	s19 =	sshrl.u32 s17, $0x2;
	s20 =	sshrl.u32 s18, $0x2  }
0xf: {  	s5 =	sadd.s32 s5, s9;
	s8 =	sshrl.u32 s8, $0x3;
	s22 =	sshrl.u32 s11, $0x3  }
0x10: {  	s24 =	sshll.u32 s11, $0x4;
	s25 =	sadd.s32 $0x50, s11;
	s17 =	sadd.s32 s20, s3  }
0x11: {  	s0 =	sadd.s32 s8, s0;
	s23 =	sadd.s32 s6, s22;
	s12 =	sadd.s32 s9, s24  }
0x12: {  	s10 =	sadd.s32 s1, s22;
	s26 =	sshrl.u32 s25, $0x3;
	[dreg:$0x7] =	wrdreg s23  }
0x13: {  	s16 =	sshll.u32 s25, $0x4;
	s8 =	smax.u32 s21, $0x1;
	[dreg:$0x8] =	wrdreg s12  }
0x14: {  	s21 =	smul.u32 $0x27100, s14;
	s22 =	sadd.s32 $0xF0, s11;
	[dreg:$0x9] =	wrdreg s10  }
0x15: {  	s15 =	sadd.s32 s6, s26;
	s12 =	sadd.s32 s9, s16;
	s10 =	sadd.s32 s1, s26  }
0x16: {  	[dreg:$0xd] =	wrdreg s8;
	s16 =	sadd.s32 s19, s2;
	s23 =	smul.u32 $0x2800, s14  }
0x17: {  	s24 =	sshrl.u32 s22, $0x3;
	s26 =	sadd.s32 $0xA0, s11;
	[dreg:$0xa] =	wrdreg s15  }
0x18: {  	s8 =	simm.s32 $0x2;
	s9 =	simm.s32 $0x0;
	[dreg:$0xb] =	wrdreg s12  }
0x19: {  	[dreg:$0xc] =	wrdreg s10;
	s18 =	sadd.s32 s21, s5;
	s14 =	sadd.s32 s24, s1  }
0x1a: {  	s5 =	sadd.s32 s24, s6;
	[dreg:$0xf] =	wrdreg s26;
	s24 =	simm.s32 $0x5200  }
0x1b: {  	s26 =	simm.s32 $0x6600;
	[dreg:$0xe] =	wrdreg s5;
	s25 =	sadd.s32 s23, s7  }
0x1c: {  	s23 =	sadd.s32 $0x4E00, s0;
	s0 =	simm.s32 $0x5180;
	s5 =	simm.s32 $0x1  }
0x1d: {  	s7 =	simm.s32 $0x50;
	s22 =	sadd.s32 $0xEA00, s25;
	s25 =	simm.s32 $0x3  }
.LBB2_1:
0x1e: {  	s10 =	rddreg [dreg:$0x5]  }
0x1f: {  	[tilespmem:s24], [sflag:$0x3] =	stream.linear.gather [hbm4b:s10+s4], $0x1400, $0x38;
	[tilespmem:$0x1A900] =	vst v63  }
0x20: {  	_ =	swait.ge [sflag:s25], $0x1400  }
0x21: {  	[sflag:s25] =	ssyncset.done $0x0  }
0x22: {  	s20 =	rddreg [dreg:$0x6];
	[sflag:s25] =	ssyncadd.s32 $0xFFFFEC00  }
0x23: {  	[tilespmem:s26], [sflag:$0x3] =	stream.linear.gather [hbm4b:s20+s4], $0x80, $0x38;
	[tilespmem:$0x1A900] =	vst v63  }
0x24: {  	_ =	swait.ge [sflag:s25], $0x80  }
0x25: {  	[sflag:s25] =	ssyncset.done $0x0  }
0x26: {  	[sflag:s25] =	ssyncadd.s32 $0xFFFFFF80  }
0x27: {  	[spmem:s16] =	stream.linear.scatter [tilespmem:s24], [sflag:$0x3], $0x1400, $0x38;
	[tilespmem:$0x1A900] =	vst v63  }
0x28: {  	_ =	swait.ge [sflag:s25], $0x1400  }
0x29: {  	[sflag:s25] =	ssyncset.done $0x0  }
0x2a: {  	s21 =	sadd.s32 $0x0, s17;
	[sflag:s25] =	ssyncadd.s32 $0xFFFFEC00  }
0x2b: {  	[spmem:s21] =	stream.linear.scatter [tilespmem:s26], [sflag:$0x3], $0x28, $0x38;
	[tilespmem:$0x1A900] =	vst v63  }
0x2c: {  	_ =	swait.ge [sflag:s25], $0x28  }
0x2d: {  	s11 =	smov.u32 s16;
	s10 =	simm.s32 $0xA0;
	[sflag:s25] =	ssyncset.done $0x0  }
.LBB2_2:
0x2e: {  	p0 =	sne.s32 s10, $0x960;
	[sflag:s25] =	ssyncadd.s32 $0xFFFFFFD8;
	s11 =	sadd.s32 $0x1400, s11  }
0x2f: {  	[spmem:s11] =	stream.linear.scatter [tilespmem:s24], [sflag:$0x3], $0x1400, $0x38;
	[tilespmem:$0x1A900] =	vst v63  }
0x30: {  	s12 =	smov.u32 s10;
	s10 =	sadd.s32 $0xA0, s10;
	_ =	swait.ge [sflag:s25], $0x1400  }
.Ltmp0:
0x31: {  	s12 =	sshra.s32 s12, $0x2;
	[sflag:s25] =	ssyncset.done $0x0;
	(pc) =	sbr.rel @p0 .LBB2_2-.Ltmp0, $4  }
0x32: {  	s12 =	sadd.s32 s12, s17;
	[sflag:s25] =	ssyncadd.s32 $0xFFFFEC00  }
0x33: {  	[spmem:s12] =	stream.linear.scatter [tilespmem:s26], [sflag:$0x3], $0x28, $0x38;
	[tilespmem:$0x1A900] =	vst v63  }
0x34: {  	_ =	swait.ge [sflag:s25], $0x28  }
0x35: {  	[sflag:s25] =	ssyncset.done $0x0  }
0x36: {  	[sflag:s25] =	ssyncadd.s32 $0xFFFFFFD8  }
0x37: {  	[bflag:$0x0] =	sbarrier.arrive $0xFFFF  }
0x38: {  	s10 =	simm.s32 $0x0;
	s11 =	rddreg [dreg:$0x7]  }
0x39: {  	[tilespmem:s10], [sflag:$0x1] =	stream.linear.gather [hbm4b:s11+s10], $0x50, $0x38;
	[tilespmem:$0x1A900] =	vst v63  }
0x3a: {  	s15 =	rddreg [dreg:$0x8]  }
0x3b: {  	[tilespmem:s28], [sflag:$0x1] =	stream.linear.gather [hbm4b:s15+s10], $0x2800, $0x38;
	[tilespmem:$0x1A900] =	vst v63  }
0x3c: {  	s19 =	rddreg [dreg:$0x9]  }
0x3d: {  	[tilespmem:s29], [sflag:$0x1] =	stream.linear.gather [hbm4b:s19+s10], $0x50, $0x38;
	[tilespmem:$0x1A900] =	vst v63  }
0x3e: {  	s20 =	rddreg [dreg:$0xa]  }
0x3f: {  	[tilespmem:s30], [sflag:$0x2] =	stream.linear.gather [hbm4b:s20+s10], $0x50, $0x38;
	[tilespmem:$0x1A900] =	vst v63  }
0x40: {  	s21 =	rddreg [dreg:$0xb]  }
0x41: {  	[tilespmem:s31], [sflag:$0x2] =	stream.linear.gather [hbm4b:s21+s10], $0x2800, $0x38;
	[tilespmem:$0x1A900] =	vst v63  }
0x42: {  	s12 =	rddreg [dreg:$0xc]  }
0x43: {  	[tilespmem:s0], [sflag:$0x2] =	stream.linear.gather [hbm4b:s12+s10], $0x50, $0x38;
	[tilespmem:$0x1A900] =	vst v63  }
0x44: {  	_ =	swait.ge [sflag:s5], $0x50  }
0x45: {  	[sflag:s5] =	ssyncset.done $0x0  }
0x46: {  	[sflag:s5] =	ssyncadd.s32 $0xFFFFFFB0  }
0x47: {  	_ =	swait.ge [sflag:s5], $0x2800  }
0x48: {  	[sflag:s5] =	ssyncset.done $0x0  }
0x49: {  	[sflag:s5] =	ssyncadd.s32 $0xFFFFD800  }
0x4a: {  	_ =	swait.ge [sflag:s5], $0x50  }
0x4b: {  	[sflag:s5] =	ssyncset.done $0x0  }
0x4c: {  	[sflag:s5] =	ssyncadd.s32 $0xFFFFFFB0  }
0x4d: {  	[spmem:s2] =	stream.indirect.scatter.add.f32 [tilespmem:s28], [sflag:$0x3], $0x80, s4, s7, $0xb8;
	[tilespmem:$0x1A900] =	vst v63  }
0x4e: {  	_ =	swait.ge [sflag:s25], $0x2800  }
0x4f: {  	[sflag:s25] =	ssyncset.done $0x0  }
0x50: {  	[sflag:s25] =	ssyncadd.s32 $0xFFFFD800  }
0x51: {  	[spmem:s3] =	stream.indirect.scatter.add.f32 [tilespmem:s29], [sflag:$0x3], $0x1, s4, s7, $0xb8;
	[tilespmem:$0x1A900] =	vst v63  }
0x52: {  	_ =	swait.ge [sflag:s25], $0x50  }
0x53: {  	s15 =	rddreg [dreg:$0xf]  }
0x54: {  	[sflag:s25] =	ssyncset.done $0x0;
	s13 =	sshrl.u32 s15, $0x3  }
0x55: {  	s12 =	sadd.s32 $0x0, s18;
	[sflag:s25] =	ssyncadd.s32 $0xFFFFFFB0;
	s19 =	sadd.s32 s6, s13  }
0x56: {  	[tilespmem:s4], [sflag:$0x1] =	stream.linear.gather [hbm4b:s19+s4], $0x50, $0x38;
	[tilespmem:$0x1A900] =	vst v63  }
0x57: {  	s20 =	sadd.s32 $0xA00, s12  }
0x58: {  	[tilespmem:s28], [sflag:$0x1] =	stream.linear.gather [hbm4b:s20+s4], $0x2800, $0x38;
	[tilespmem:$0x1A900] =	vst v63  }
0x59: {  	s10 =	sadd.s32 s1, s13  }
0x5a: {  	[tilespmem:s29], [sflag:$0x1] =	stream.linear.gather [hbm4b:s10+s4], $0x50, $0x38;
	[tilespmem:$0x1A900] =	vst v63  }
0x5b: {  	_ =	swait.ge [sflag:s8], $0x50  }
0x5c: {  	[sflag:s8] =	ssyncset.done $0x0  }
0x5d: {  	[sflag:s8] =	ssyncadd.s32 $0xFFFFFFB0  }
0x5e: {  	_ =	swait.ge [sflag:s8], $0x2800  }
0x5f: {  	[sflag:s8] =	ssyncset.done $0x0  }
0x60: {  	[sflag:s8] =	ssyncadd.s32 $0xFFFFD800  }
0x61: {  	_ =	swait.ge [sflag:s8], $0x50  }
0x62: {  	[sflag:s8] =	ssyncset.done $0x0  }
0x63: {  	[sflag:s8] =	ssyncadd.s32 $0xFFFFFFB0  }
0x64: {  	[spmem:s2] =	stream.indirect.scatter.add.f32 [tilespmem:s31], [sflag:$0x3], $0x80, s30, s7, $0xb8;
	[tilespmem:$0x1A900] =	vst v63  }
0x65: {  	_ =	swait.ge [sflag:s25], $0x2800  }
0x66: {  	[sflag:s25] =	ssyncset.done $0x0  }
0x67: {  	[sflag:s25] =	ssyncadd.s32 $0xFFFFD800  }
0x68: {  	[spmem:s3] =	stream.indirect.scatter.add.f32 [tilespmem:s0], [sflag:$0x3], $0x1, s30, s7, $0xb8;
	[tilespmem:$0x1A900] =	vst v63  }
0x69: {  	_ =	swait.ge [sflag:s25], $0x50  }
0x6a: {  	s11 =	sadd.s32 $0x14, s14;
	s21 =	sadd.s32 $0xF00, s12;
	[sflag:s25] =	ssyncset.done $0x0  }
0x6b: {  	s19 =	smov.u32 s14;
	s13 =	rddreg [dreg:$0xe];
	[sflag:s25] =	ssyncadd.s32 $0xFFFFFFB0  }
0x6c: {  	[tilespmem:s30], [sflag:$0x2] =	stream.linear.gather [hbm4b:s13+s4], $0x50, $0x38;
	[tilespmem:$0x1A900] =	vst v63  }
0x6d: {  	s10 =	simm.s32 $0xA00;
	s12 =	sadd.s32 $0x14, s13;
	s13 =	sadd.s32 $0xA0, s15  }
0x6e: {  	[tilespmem:s31], [sflag:$0x2] =	stream.linear.gather [hbm4b:s21+s4], $0x2800, $0x38;
	[tilespmem:$0x1A900] =	vst v63  }
.LBB2_4:
0x6f: {  	[tilespmem:s0], [sflag:$0x2] =	stream.linear.gather [hbm4b:s19+s4], $0x50, $0x38;
	[tilespmem:$0x1A900] =	vst v63  }
0x70: {  	s15 =	smov.u32 s10;
	s19 =	smov.u32 s11  }
0x71: {  	p0 =	sne.s32 s10, $0x26200;
	s10 =	sadd.s32 $0xA00, s10;
	_ =	swait.ge [sflag:s5], $0x50  }
0x72: {  	[sflag:s5] =	ssyncset.done $0x0  }
0x73: {  	[sflag:s5] =	ssyncadd.s32 $0xFFFFFFB0  }
0x74: {  	_ =	swait.ge [sflag:s5], $0x2800  }
0x75: {  	[sflag:s5] =	ssyncset.done $0x0  }
0x76: {  	[sflag:s5] =	ssyncadd.s32 $0xFFFFD800  }
0x77: {  	_ =	swait.ge [sflag:s5], $0x50  }
0x78: {  	[sflag:s5] =	ssyncset.done $0x0  }
0x79: {  	[sflag:s5] =	ssyncadd.s32 $0xFFFFFFB0  }
0x7a: {  	[spmem:s2] =	stream.indirect.scatter.add.f32 [tilespmem:s28], [sflag:$0x3], $0x80, s4, s7, $0xb8;
	[tilespmem:$0x1A900] =	vst v63  }
0x7b: {  	_ =	swait.ge [sflag:s25], $0x2800  }
0x7c: {  	[sflag:s25] =	ssyncset.done $0x0  }
0x7d: {  	[sflag:s25] =	ssyncadd.s32 $0xFFFFD800  }
0x7e: {  	[spmem:s3] =	stream.indirect.scatter.add.f32 [tilespmem:s29], [sflag:$0x3], $0x1, s4, s7, $0xb8;
	[tilespmem:$0x1A900] =	vst v63  }
0x7f: {  	_ =	swait.ge [sflag:s25], $0x50  }
0x80: {  	s20 =	sshrl.u32 s13, $0x3;
	[sflag:s25] =	ssyncset.done $0x0  }
0x81: {  	s21 =	sadd.s32 s6, s20;
	s15 =	sadd.s32 s15, s18;
	[sflag:s25] =	ssyncadd.s32 $0xFFFFFFB0  }
0x82: {  	[tilespmem:s4], [sflag:$0x1] =	stream.linear.gather [hbm4b:s21+s4], $0x50, $0x38;
	[tilespmem:$0x1A900] =	vst v63  }
0x83: {  	s21 =	sadd.s32 $0xA00, s15  }
0x84: {  	[tilespmem:s28], [sflag:$0x1] =	stream.linear.gather [hbm4b:s21+s4], $0x2800, $0x38;
	[tilespmem:$0x1A900] =	vst v63  }
0x85: {  	s20 =	sadd.s32 s1, s20  }
0x86: {  	[tilespmem:s29], [sflag:$0x1] =	stream.linear.gather [hbm4b:s20+s4], $0x50, $0x38;
	[tilespmem:$0x1A900] =	vst v63  }
0x87: {  	_ =	swait.ge [sflag:s8], $0x50  }
0x88: {  	[sflag:s8] =	ssyncset.done $0x0  }
0x89: {  	[sflag:s8] =	ssyncadd.s32 $0xFFFFFFB0  }
0x8a: {  	_ =	swait.ge [sflag:s8], $0x2800  }
0x8b: {  	[sflag:s8] =	ssyncset.done $0x0  }
0x8c: {  	[sflag:s8] =	ssyncadd.s32 $0xFFFFD800  }
0x8d: {  	_ =	swait.ge [sflag:s8], $0x50  }
0x8e: {  	[sflag:s8] =	ssyncset.done $0x0  }
0x8f: {  	[sflag:s8] =	ssyncadd.s32 $0xFFFFFFB0  }
0x90: {  	[spmem:s2] =	stream.indirect.scatter.add.f32 [tilespmem:s31], [sflag:$0x3], $0x80, s30, s7, $0xb8;
	[tilespmem:$0x1A900] =	vst v63  }
0x91: {  	_ =	swait.ge [sflag:s25], $0x2800  }
0x92: {  	[sflag:s25] =	ssyncset.done $0x0  }
0x93: {  	[sflag:s25] =	ssyncadd.s32 $0xFFFFD800  }
0x94: {  	[spmem:s3] =	stream.indirect.scatter.add.f32 [tilespmem:s0], [sflag:$0x3], $0x1, s30, s7, $0xb8;
	[tilespmem:$0x1A900] =	vst v63  }
0x95: {  	_ =	swait.ge [sflag:s25], $0x50  }
0x96: {  	[sflag:s25] =	ssyncset.done $0x0  }
.Ltmp1:
0x97: {  	[sflag:s25] =	ssyncadd.s32 $0xFFFFFFB0;
	(pc) =	sbr.rel @p0 .LBB2_4-.Ltmp1, $4  }
0x98: {  	[tilespmem:s30], [sflag:$0x2] =	stream.linear.gather [hbm4b:s12+s4], $0x50, $0x38;
	[tilespmem:$0x1A900] =	vst v63  }
0x99: {  	s15 =	sadd.s32 $0xF00, s15  }
0x9a: {  	[tilespmem:s31], [sflag:$0x2] =	stream.linear.gather [hbm4b:s15+s4], $0x2800, $0x38;
	[tilespmem:$0x1A900] =	vst v63  }
0x9b: {  	s11 =	sadd.s32 $0x14, s11;
	s13 =	sadd.s32 $0xA0, s13;
	s12 =	sadd.s32 $0x14, s12  }
0x9c: {  	[tilespmem:s0], [sflag:$0x2] =	stream.linear.gather [hbm4b:s19+s4], $0x50, $0x38;
	[tilespmem:$0x1A900] =	vst v63  }
0x9d: {  	_ =	swait.ge [sflag:s5], $0x50  }
0x9e: {  	[sflag:s5] =	ssyncset.done $0x0  }
0x9f: {  	[sflag:s5] =	ssyncadd.s32 $0xFFFFFFB0  }
0xa0: {  	_ =	swait.ge [sflag:s5], $0x2800  }
0xa1: {  	[sflag:s5] =	ssyncset.done $0x0  }
0xa2: {  	[sflag:s5] =	ssyncadd.s32 $0xFFFFD800  }
0xa3: {  	_ =	swait.ge [sflag:s5], $0x50  }
0xa4: {  	[sflag:s5] =	ssyncset.done $0x0  }
0xa5: {  	s10 =	simm.s32 $0x0;
	[sflag:s5] =	ssyncadd.s32 $0xFFFFFFB0  }
0xa6: {  	[spmem:s2] =	stream.indirect.scatter.add.f32 [tilespmem:s28], [sflag:$0x3], $0x80, s10, s7, $0xb8;
	[tilespmem:$0x1A900] =	vst v63  }
0xa7: {  	_ =	swait.ge [sflag:s25], $0x2800  }
0xa8: {  	[sflag:s25] =	ssyncset.done $0x0  }
0xa9: {  	[sflag:s25] =	ssyncadd.s32 $0xFFFFD800  }
0xaa: {  	[spmem:s3] =	stream.indirect.scatter.add.f32 [tilespmem:s29], [sflag:$0x3], $0x1, s10, s7, $0xb8;
	[tilespmem:$0x1A900] =	vst v63  }
0xab: {  	_ =	swait.ge [sflag:s25], $0x50  }
0xac: {  	[sflag:s25] =	ssyncset.done $0x0  }
0xad: {  	[sflag:s25] =	ssyncadd.s32 $0xFFFFFFB0  }
0xae: {  	_ =	swait.ge [sflag:s8], $0x50  }
0xaf: {  	[sflag:s8] =	ssyncset.done $0x0  }
0xb0: {  	[sflag:s8] =	ssyncadd.s32 $0xFFFFFFB0  }
0xb1: {  	_ =	swait.ge [sflag:s8], $0x2800  }
0xb2: {  	[sflag:s8] =	ssyncset.done $0x0  }
0xb3: {  	[sflag:s8] =	ssyncadd.s32 $0xFFFFD800  }
0xb4: {  	_ =	swait.ge [sflag:s8], $0x50  }
0xb5: {  	[sflag:s8] =	ssyncset.done $0x0  }
0xb6: {  	[sflag:s8] =	ssyncadd.s32 $0xFFFFFFB0  }
0xb7: {  	[bflag:$0x0] =	sbarrier.arrive $0xFFFF  }
0xb8: {  	[tilespmem:s24], [sflag:$0x3] =	stream.linear.gather [spmem:s16], $0x1400, $0x38;
	[tilespmem:$0x1A900] =	vst v63  }
0xb9: {  	_ =	swait.ge [sflag:s25], $0x1400  }
0xba: {  	[sflag:s25] =	ssyncset.done $0x0  }
0xbb: {  	[sflag:s25] =	ssyncadd.s32 $0xFFFFEC00  }
0xbc: {  	[hbm4b:s22+s4] =	stream.linear.scatter [tilespmem:s24], [sflag:$0x3], $0x1400, $0x38;
	[tilespmem:$0x1A900] =	vst v63  }
0xbd: {  	_ =	swait.ge [sflag:s25], $0x1400  }
0xbe: {  	[sflag:s25] =	ssyncset.done $0x0  }
0xbf: {  	[sflag:s25] =	ssyncadd.s32 $0xFFFFEC00  }
0xc0: {  	[tilespmem:s26], [sflag:$0x3] =	stream.linear.gather [spmem:s17], $0x28, $0x38;
	[tilespmem:$0x1A900] =	vst v63  }
0xc1: {  	_ =	swait.ge [sflag:s25], $0x28  }
0xc2: {  	[sflag:s25] =	ssyncset.done $0x0  }
0xc3: {  	s21 =	sadd.s32 $0x0, s23;
	[sflag:s25] =	ssyncadd.s32 $0xFFFFFFD8  }
0xc4: {  	[hbm4b:s21+s4] =	stream.linear.scatter [tilespmem:s26], [sflag:$0x3], $0x28, $0x38;
	[tilespmem:$0x1A900] =	vst v63  }
0xc5: {  	s11 =	sadd.s32 $0x28, s17;
	s12 =	smov.u32 s22;
	_ =	swait.ge [sflag:s25], $0x28  }
0xc6: {  	s13 =	smov.u32 s16;
	s10 =	simm.s32 $0x5;
	[sflag:s25] =	ssyncset.done $0x0  }
.LBB2_6:
0xc7: {  	[sflag:s25] =	ssyncadd.s32 $0xFFFFFFD8  }
0xc8: {  	s12 =	sadd.s32 $0x280, s12;
	s13 =	sadd.s32 $0x1400, s13;
	s15 =	smov.u32 s10  }
0xc9: {  	[tilespmem:s24], [sflag:$0x3] =	stream.linear.gather [spmem:s13], $0x1400, $0x38;
	[tilespmem:$0x1A900] =	vst v63  }
0xca: {  	p0 =	sne.s32 s10, $0x4B;
	s10 =	sadd.s32 $0x5, s10;
	_ =	swait.ge [sflag:s25], $0x1400  }
0xcb: {  	[sflag:s25] =	ssyncset.done $0x0  }
0xcc: {  	[sflag:s25] =	ssyncadd.s32 $0xFFFFEC00  }
0xcd: {  	[hbm4b:s12+s4] =	stream.linear.scatter [tilespmem:s24], [sflag:$0x3], $0x1400, $0x38;
	[tilespmem:$0x1A900] =	vst v63  }
0xce: {  	_ =	swait.ge [sflag:s25], $0x1400  }
0xcf: {  	[sflag:s25] =	ssyncset.done $0x0  }
0xd0: {  	[sflag:s25] =	ssyncadd.s32 $0xFFFFEC00  }
0xd1: {  	[tilespmem:s26], [sflag:$0x3] =	stream.linear.gather [spmem:s11], $0x28, $0x38;
	[tilespmem:$0x1A900] =	vst v63  }
0xd2: {  	_ =	swait.ge [sflag:s25], $0x28  }
.Ltmp2:
0xd3: {  	[sflag:s25] =	ssyncset.done $0x0;
	(pc) =	sbr.rel @p0 .LBB2_6-.Ltmp2, $4  }
0xd4: {  	s15 =	sadd.s32 s15, s23;
	[sflag:s25] =	ssyncadd.s32 $0xFFFFFFD8  }
0xd5: {  	[hbm4b:s15+s4] =	stream.linear.scatter [tilespmem:s26], [sflag:$0x3], $0x28, $0x38;
	[tilespmem:$0x1A900] =	vst v63  }
0xd6: {  	_ =	swait.ge [sflag:s25], $0x28  }
0xd7: {  	s11 =	sadd.s32 $0x28, s11;
	[sflag:s25] =	ssyncset.done $0x0  }
0xd8: {  	s9 =	sadd.s32 $0x1, s9;
	s10 =	rddreg [dreg:$0xd]  }
0xd9: {  	p0 =	sne.s32 s9, s10  }
.Ltmp3:
0xda: {  	_ = 	snop;
	(pc) =	sbr.rel @p0 .LBB2_1-.Ltmp3, $2  }
0xdb: {  	_ =	sdelay $0x2  }
0xdc: {  	[sflag:s25] =	ssyncadd.s32 $0xFFFFFFD8  }
0xdd: {  	_ =	sfence.sel $0x180000  }
0xde: {  	[bflag:$0x0] =	sbarrier.arrive $0xFFFF  }
0xdf: {  	_ =	strace $0x9000004A  }
0xe0: {  	s0 =	stileid.u32;
	[bflag:$0x2] =	sbarrier.arrive $0xFFFF  }
0xe1: {  	p0 =	sne.s32 s0, $0x0;
	s0 =	rddreg [dreg:$0x4]  }
0xe2: {  	s0 =	sadd.s32 @!p0 $0x100000, s0  }
0xe3: {  	[sflag:s0] =	ssyncadd.tile.s32 @!p0 $0x1;
	_ =	shalt  }
.Lfunc_end2:
_tile_overlayer_lowered:
.L_overlay_start_2:
0xe4: {  	(tag) =	ssettag $0x2  }
0xe5: {  	s0 =	rddreg [dreg:$0x0];
	s2 =	stileid.u32  }
0xe6: {  	s1 =	rddreg [dreg:$0x1];
	p0 =	sne.s32 s2, $0x0  }
0xe7: {  	s3 =	rddreg [dreg:$0x2];
	[bflag:$0x3] =	sbarrier.arrive $0xFFFF;
	s2 =	simm.s32 @!p0 $0x1C03  }
0xe8: {  	[timem:s3], [sflag:s2] =	dma.local @!p0 [hbm:s0], s1  }
0xe9: {  	s0 =	simm.s32 @!p0 $0x3  }
0xea: {  	_ =	swait.ge @!p0 [sflag:s0], s1  }
0xeb: {  	s1 =	ssub.s32 @!p0 $0x0, s1;
	[sflag:s0] =	ssyncset.done @!p0 $0x0  }
0xec: {  	[sflag:s0] =	ssyncadd.s32 @!p0 s1  }
0xed: {  	[bflag:$0x3] =	sbarrier.arrive $0xFFFF  }
0xee: {  	_ =	shalt  }

// kernel: kernel.7.cloned.1.call-start
scs
__scs_entry_jumppad:
0x0: {  	(pc) =	sbr.rel $0x88, $3  }
0x1: {  	(tag) =	ssettag $0x0;
	lr =	simm.s32 $0x1  }
0x2: {  	[smem:$0x3F91] =	sst lr;
	_ =	strace $0xD0000000  }
0x3: {  	_ = 	snop  }
0x4: {  	_ = 	snop  }
0x5: {  	_ = 	snop  }
0x6: {  	_ = 	snop  }
0x7: {  	_ = 	snop  }
__scs_overlays_trampoline_lowered:
0x8: {  	[smem:$0x3FA0] =	sst s0  }
0x9: {  	[smem:$0x3FA1] =	sst s1  }
0xa: {  	[smem:$0x3FA2] =	sst s2  }
0xb: {  	[smem:$0x3FA3] =	sst s3  }
0xc: {  	[smem:$0x3FA4] =	sst s4  }
0xd: {  	[smem:$0x3FA5] =	sst s5  }
0xe: {  	[smem:$0x3FA6] =	sst s6  }
0xf: {  	[smem:$0x3FA7] =	sst s7  }
0x10: {  	[smem:$0x3FA8] =	sst s8  }
0x11: {  	[smem:$0x3FA9] =	sst s9;
	s0 =	simm.s32 @!p0 $0x0  }
0x12: {  	s1 =	sld [smem:$0x3F8F];
	s0 =	simm.s32 @p0 $0x1  }
0x13: {  	[smem:$0x3FAA] =	sst s0;
	s0 =	simm.s32 @!p1 $0x0  }
0x14: {  	s2 =	sld [smem:$0x3F8E];
	s0 =	simm.s32 @p1 $0x1  }
0x15: {  	[smem:$0x3FAB] =	sst s0;
	s0 =	simm.s32 @!p2 $0x0  }
0x16: {  	s3 =	sld [smem:$0x3FDB];
	s0 =	simm.s32 @p2 $0x1  }
0x17: {  	s4 =	simm.s32 $0x1BF5;
	[smem:$0x3FAD] =	sst s0  }
0x18: {  	s0 =	sld [smem:$0x3F90];
	_ =	swait.ge [sflag:s4], $0x0  }
0x19: {  	s7 =	sld [smem:$0x3F91]  }
0x1a: {  	s8 =	sadd.s32 $0xFFFFE003, lr  }
0x1b: {  	s9 =	sadd.s32 $0xFFFFFEF7, lr;
	s5 =	simm.s32 $0xFFFFFFFF;
	p2 =	slt.u32 s8, $0xFFFFF086  }
0x1c: {  	p1 =	slt.u32 s9, $0xF7A;
	s5 =	simm.s32 @!p2 $0x0  }
0x1d: {  	s5 =	simm.s32 @p1 $0x1;
	p0 =	seq.s32 s7, s2  }
0x1e: {  	s7 =	smul.u32 @!p0 $0xF7A, s2;
	p2 =	seq.s32 @!p0 s5, $0x0  }
0x1f: {  	s9 =	smul.u32 $0xF7A, s1;
	s8 =	simm.s32 @!p0 $0x1BF5;
	p2 =	por !p2, p0  }
0x20: {  	[sflag:s8] =	ssyncset.s32 @!p0 $0xFFFFF086;
	s6 =	sadd.s32 @!p0 s3, s7;
	s7 =	simm.s32 @!p0 $0x108  }
0x21: {  	s3 =	sadd.s32 s3, s9;
	s6 =	sadd.s32 @!p0 $0x88, s6;
	s7 =	simm.s32 @p2 $0x1082  }
0x22: {  	[simem:s7], [sflag:s8] =	dma.local @!p0 [hbm:s6], $0xF7A  }
0x23: {  	s9 =	sor.u32 $0xD0000000, s2;
	s6 =	simm.s32 $0x108;
	_ =	swait.ge @!p0 [sflag:s8], $0x0  }
0x24: {  	s3 =	sadd.s32 $0x88, s3;
	s6 =	simm.s32 @!p1 $0x1082;
	[sflag:s4] =	ssyncset.s32 $0xFFFFF086  }
0x25: {  	[simem:s6], [sflag:s4] =	dma.local [hbm:s3], $0xF7A  }
0x26: {  	[smem:$0x3F91] =	sst s1;
	(tag) =	ssettag s2;
	_ =	strace s9  }
0x27: {  	s1 =	sld [smem:$0x3FA1]  }
0x28: {  	s2 =	sld [smem:$0x3FA2]  }
0x29: {  	s4 =	sld [smem:$0x3FA4]  }
0x2a: {  	p0 =	seq.s32 s5, $0x0;
	s5 =	sld [smem:$0x3FA5]  }
0x2b: {  	s6 =	sld [smem:$0x3FA6]  }
0x2c: {  	s7 =	sld [smem:$0x3FA7]  }
0x2d: {  	s3 =	simm.s32 $0x108;
	s8 =	sld [smem:$0x3FA8]  }
0x2e: {  	s3 =	simm.s32 @!p0 $0x1082;
	s9 =	sld [smem:$0x3FA9]  }
0x2f: {  	lr =	sadd.s32 s0, s3;
	s0 =	sld [smem:$0x3FA0]  }
0x30: {  	s3 =	sld [smem:$0x3FA3]  }
0x31: {  	[smem:$0x3FAC] =	sst s10  }
0x32: {  	s10 =	sld [smem:$0x3FAA];
	_ =	sdelay $0x3  }
0x33: {  	p0 =	seq.s32 s10, $0x1;
	s10 =	sld [smem:$0x3FAC];
	_ =	sdelay $0x3  }
0x34: {  	[smem:$0x3FAC] =	sst s10  }
0x35: {  	s10 =	sld [smem:$0x3FAB];
	_ =	sdelay $0x3  }
0x36: {  	p1 =	seq.s32 s10, $0x1;
	s10 =	sld [smem:$0x3FAC];
	_ =	sdelay $0x3  }
0x37: {  	[smem:$0x3FAC] =	sst s10  }
0x38: {  	s10 =	sld [smem:$0x3FAD]  }
0x39: {  	_ = 	snop;
	(pc) =	sbr.ind lr, $3  }
0x3a: {  	_ = 	snop  }
0x3b: {  	_ = 	snop  }
0x3c: {  	p2 =	seq.s32 s10, $0x1;
	s10 =	sld [smem:$0x3FAC]  }
0x3d: {  	_ =	shalt  }
0x3e: {  	_ =	shalt  }
0x3f: {  	_ =	shalt  }
0x40: {  	_ =	shalt  }
0x41: {  	_ =	shalt  }
0x42: {  	_ =	shalt  }
0x43: {  	_ =	shalt  }
0x44: {  	_ =	shalt  }
0x45: {  	_ =	shalt  }
0x46: {  	_ =	shalt  }
0x47: {  	_ =	shalt  }
0x48: {  	_ =	shalt  }
0x49: {  	_ =	shalt  }
0x4a: {  	_ =	shalt  }
0x4b: {  	_ =	shalt  }
0x4c: {  	_ =	shalt  }
0x4d: {  	_ =	shalt  }
0x4e: {  	_ =	shalt  }
0x4f: {  	_ =	shalt  }
0x50: {  	_ =	shalt  }
0x51: {  	_ =	shalt  }
0x52: {  	_ =	shalt  }
0x53: {  	_ =	shalt  }
0x54: {  	_ =	shalt  }
0x55: {  	_ =	shalt  }
0x56: {  	_ =	shalt  }
0x57: {  	_ =	shalt  }
0x58: {  	_ =	shalt  }
0x59: {  	_ =	shalt  }
0x5a: {  	_ =	shalt  }
0x5b: {  	_ =	shalt  }
0x5c: {  	_ =	shalt  }
0x5d: {  	_ =	shalt  }
0x5e: {  	_ =	shalt  }
0x5f: {  	_ =	shalt  }
0x60: {  	_ =	shalt  }
0x61: {  	_ =	shalt  }
0x62: {  	_ =	shalt  }
0x63: {  	_ =	shalt  }
0x64: {  	_ =	shalt  }
0x65: {  	_ =	shalt  }
0x66: {  	_ =	shalt  }
0x67: {  	_ =	shalt  }
0x68: {  	_ =	shalt  }
0x69: {  	_ =	shalt  }
0x6a: {  	_ =	shalt  }
0x6b: {  	_ =	shalt  }
0x6c: {  	_ =	shalt  }
0x6d: {  	_ =	shalt  }
0x6e: {  	_ =	shalt  }
0x6f: {  	_ =	shalt  }
0x70: {  	_ =	shalt  }
0x71: {  	_ =	shalt  }
0x72: {  	_ =	shalt  }
0x73: {  	_ =	shalt  }
0x74: {  	_ =	shalt  }
0x75: {  	_ =	shalt  }
0x76: {  	_ =	shalt  }
0x77: {  	_ =	shalt  }
0x78: {  	_ =	shalt  }
0x79: {  	_ =	shalt  }
0x7a: {  	_ =	shalt  }
0x7b: {  	_ =	shalt  }
0x7c: {  	_ =	shalt  }
0x7d: {  	_ =	shalt  }
0x7e: {  	_ =	shalt  }
0x7f: {  	_ =	shalt  }
0x80: {  	_ =	shalt  }
0x81: {  	_ =	shalt  }
0x82: {  	_ =	shalt  }
0x83: {  	_ =	shalt  }
0x84: {  	_ =	shalt  }
0x85: {  	_ =	shalt  }
0x86: {  	_ =	shalt  }
0x87: {  	_ =	shalt  }
.Lfunc_end0:
.L_simem_size_0:
called_computation_lowered:
.L_overlay_start_0:
0x88: {  	s2 =	sld [smem:$0x3FD9]  }
0x89: {  	s3 =	sld [smem:$0x3FFE];
	_ =	sdelay $0x1  }
0x8a: {  	s1 =	srdreg.scid  }
0x8b: {  	s0 =	sand.u32 $0x1, s1  }
0x8c: {  	s14 =	sshll.u32 s0, $0xA;
	s2 =	sadd.s32 s3, s2  }
0x8d: {  	s2 =	sadd.s32 s2, s14  }
0x8e: {  	[smem:$0x3FB8] =	sst s2  }
0x8f: {  	_ = 	snop  }
0x90: {  	s2 =	sld [smem:$0x3FD0];
	_ =	sdelay $0x2  }
0x91: {  	s4 =	simm.s32 $0xA;
	s5 =	simm.s32 $0x10;
	s15 =	sld [smem:$0x3FC9]  }
0x92: {  	[smem:s5], [sflag:s4] =	dma.local [hbm:s2], $0x1  }
0x93: {  	_ =	swait.eq [sflag:s4], $0x1  }
0x94: {  	[sflag:s4] =	ssyncset.done $0x0  }
0x95: {  	[sflag:s4] =	ssyncadd.s32 $0xFFFFFFFF  }
0x96: {  	s16 =	sld [smem:$0x10];
	(tm) =	ssettm $0x1  }
0x97: {  	s17 =	sld [smem:$0x3FFB];
	_ =	sdelay $0x3  }
0x98: {  	_ =	strace s17  }
0x99: {  	s4 =	sld [smem:$0x3FFC];
	_ =	sdelay $0x3  }
0x9a: {  	_ =	strace s4  }
0x9b: {  	s4 =	sld [smem:$0x3FFD];
	_ =	sdelay $0x3  }
0x9c: {  	_ =	strace s4  }
0x9d: {  	_ =	strace $0x8FFFFFFF  }
0x9e: {  	s18 =	sld [smem:$0x3FDB];
	_ =	sdelay $0x1  }
0x9f: {  	s19 =	simm.s32 $_scs_section_size  }
0xa0: {  	s6 =	simm.s32 $_size__tile_overlayer_lowered;
	s7 =	simm.s32 $_tile_overlayer_lowered  }
0xa1: {  	s22 =	simm.s32 $0x1BFF;
	s21 =	sshll.u32 s7, $0x1;
	s4 =	sadd.s32 s19, s18  }
0xa2: {  	s8 =	simm.s32 $0x0;
	s20 =	sshll.u32 s6, $0x1;
	s6 =	sadd.s32 s21, s4  }
0xa3: {  	[timem:s8], [sflag:s22] =	dma.local [hbm:s6], s20  }
0xa4: {  	_ =	swait.ge [sflag:s22], s20  }
0xa5: {  	s5 =	ssub.s32 $0x0, s20;
	[sflag:s22] =	ssyncset.done $0x0  }
0xa6: {  	[sflag:s22] =	ssyncadd.s32 s5;
	_ =	sdelay $0x1  }
0xa7: {  	s23 =	simm.s32 $0x1B8B  }
0xa8: {  	_ =	swait.ge [sflag:s23], $0x1  }
0xa9: {  	[sflag:s23] =	ssyncset.done $0x0  }
0xaa: {  	s25 =	simm.s32 $0x1B8E;
	s24 =	sld [smem:$0x3FFE];
	[sflag:s23] =	ssyncadd.s32 $0xFFFFFFFF  }
0xab: {  	s26 =	simm.s32 $execute0_lowered;
	[smem:$0x3FD2] =	sst s25  }
0xac: {  	s6 =	sshll.u32 s26, $0x1;
	_ =	strace $0x80000046;
	[dreg:$0x1] =	wrdreg $0xFFFFFFFF  }
0xad: {  	s28 =	simm.s32 $_size_execute0_lowered;
	s4 =	sadd.s32 s4, s6;
	[dreg:$0x0] =	wrdreg $0x0  }
0xae: {  	s6 =	sshll.u32 s28, $0x1;
	[dreg:$0x2] =	wrdreg s4  }
0xaf: {  	[dreg:$0x3] =	wrdreg s6  }
0xb0: {  	[dreg:$0x4] =	wrdreg $0xC0  }
0xb1: {  	_ =	task [dreg:s8], $0x5FFFF  }
0xb2: {  	[dreg:$0x1] =	wrdreg $0xFFFFFFFF  }
0xb3: {  	[dreg:$0x0] =	wrdreg $0x60  }
0xb4: {  	[dreg:$0x2] =	wrdreg s15  }
0xb5: {  	[dreg:$0x3] =	wrdreg s24  }
0xb6: {  	[dreg:$0x4] =	wrdreg s16  }
0xb7: {  	[dreg:$0x5] =	wrdreg $0x100000  }
0xb8: {  	[dreg:$0x6] =	wrdreg $0x9  }
0xb9: {  	_ =	task.clear_ibuf [dreg:s8], $0x7FFFF;
	_ =	strace $0x90000046  }
0xba: {  	s29 =	simm.s32 $0x9;
	_ =	strace $0x80000048  }
0xbb: {  	_ =	swait.ge [sflag:s29], $0x1  }
0xbc: {  	[sflag:s29] =	ssyncadd.s32 $0xFFFFFFFF  }
0xbd: {  	_ =	strace $0x90000048  }
0xbe: {  	_ =	sfence  }
0xbf: {  	s30 =	sld [smem:$0x0];
	_ =	sdelay $0x2  }
0xc0: {  	s31 =	sshll.u32 s1, $0xD;
	s1 =	sshrl.u32 s1, $0x2  }
0xc1: {  	s3 =	sand.u32 $0x4000, s31;
	s1 =	sadd.s32 s1, s30  }
0xc2: {  	s0 =	sor.u32 s3, s0;
	s1 =	sshll.u32 s1, $0x11  }
0xc3: {  	s0 =	sor.u32 s1, s0  }
0xc4: {  	s0 =	sadd.s32 $0x8F2B, s0  }
0xc5: {  	[sflag:s0] =	ssyncadd.remote.s32 $0x1  }
0xc6: {  	_ =	sfence.sel $0xFFFF  }
0xc7: {  	[dreg:$0x0] =	wrdreg $0xFFFFFFFF;
	(pc) =	sbr.abs _section_cstart, $3  }
0xc8: {  	[dreg:$0x1] =	wrdreg $0xFFFFFFFF  }
0xc9: {  	_ =	task.clear_ibuf [dreg:s8], $0x2FFFF;
	_ =	strace $0x9FFFFFFF  }
0xca: {  	(tm) =	ssettm $0x7FFFFFFF  }
0xcb: {  	_ =	shalt  }
tec
execute0_lowered:
.L_overlay_start_1:
0x0: {  	(tag) =	ssettag $0x1  }
0x1: {  	s1 =	rddreg [dreg:$0x0]  }
0x2: {  	s2 =	rddreg [dreg:$0x1]  }
0x3: {  	s7 =	rddreg [dreg:$0x2];
	s0 =	stileid.u32  }
0x4: {  	s4 =	srdreg.scid;
	s3 =	rddreg [dreg:$0x3]  }
0x5: {  	s13 =	simm.s32 $0x7;
	s14 =	simm.s32 $0x2800;
	s15 =	simm.s32 $0x50  }
0x6: {  	s16 =	simm.s32 $0x5000;
	s17 =	simm.s32 $0xA000;
	s18 =	simm.s32 $0x7800  }
0x7: {  	s19 =	simm.s32 $0x2850;
	s20 =	simm.s32 $0xC800;
	s21 =	simm.s32 $0x1  }
0x8: {  	s22 =	simm.s32 $0x3;
	s23 =	simm.s32 $0x2;
	s24 =	simm.s32 $0x4  }
0x9: {  	s25 =	simm.s32 $0x5;
	s26 =	simm.s32 $0x6;
	s28 =	simm.s32 $0x0  }
0xa: {  	s5 =	sand.u32 $0x1, s4;
	s6 =	sshll.u32 s0, $0x1;
	s4 =	simm.s32 $0x0  }
0xb: {  	s8 =	sshll.u32 s0, $0x9;
	s9 =	smul.u32 $0x4E200, s0;
	s6 =	sor.u32 s5, s6  }
0xc: {  	s31 =	sshll.u32 s0, $0xC;
	[smem:$0x7FF] =	sst s4;
	s6 =	smul.u32 $0x2710, s6  }
0xd: {  	s8 =	sadd.s32 s8, s2;
	s29 =	ssub.s32 $0x2, s5;
	s12 =	smul.u32 $0x27100, s5  }
0xe: {  	_ =	strace $0x80000047;
	s30 =	sshrl.u32 s29, $0x1;
	s10 =	sshrl.u32 s6, $0x3  }
0xf: {  	s5 =	sadd.s32 $0xEA00, s8;
	s6 =	sadd.s32 s31, s3;
	s11 =	sadd.s32 s10, s2  }
0x10: {  	s2 =	sadd.s32 s9, s2;
	s9 =	ssub.s32 s29, s30;
	s7 =	sadd.s32 s7, s10  }
0x11: {  	s8 =	sadd.s32 $0x4800, s11;
	s9 =	smax.u32 s9, $0x1;
	s2 =	sadd.s32 s12, s2  }
0x12: {  	s12 =	simm.s32 $0xF000;
	s10 =	sadd.s32 $0x10F00, s2;
	s11 =	sadd.s32 $0x4F3F00, s2  }
.LBB2_1:
0x13: {  	[tilespmem:s12], [sflag:$0x7] =	stream.linear.gather [hbm4b:s5+s4], $0x1000, $0x38;
	[tilespmem:$0x11000] =	vst v63  }
0x14: {  	_ =	swait.ge [sflag:s13], $0x1000  }
0x15: {  	[sflag:s13] =	ssyncset.done $0x0  }
0x16: {  	[sflag:s13] =	ssyncadd.s32 $0xFFFFF000  }
0x17: {  	[spmem:s6] =	stream.linear.scatter [tilespmem:s12], [sflag:$0x7], $0x1000, $0x38;
	[tilespmem:$0x11000] =	vst v63  }
0x18: {  	_ =	swait.ge [sflag:s13], $0x1000  }
0x19: {  	[sflag:s13] =	ssyncset.done $0x0  }
0x1a: {  	[sflag:s13] =	ssyncadd.s32 $0xFFFFF000  }
0x1b: {  	[tilespmem:s4], [sflag:$0x7] =	stream.linear.gather [hbm4b:s7+s4], $0x2800, $0x38;
	[tilespmem:$0x11000] =	vst v63  }
0x1c: {  	_ =	swait.ge [sflag:s13], $0x2800  }
0x1d: {  	[sflag:s13] =	ssyncset.done $0x0  }
0x1e: {  	[sflag:s13] =	ssyncadd.s32 $0xFFFFD800  }
0x1f: {  	[tilespmem:s14], [sflag:$0x7] =	stream.linear.gather [hbm4b:s8+s4], $0x2800, $0x38;
	[tilespmem:$0x11000] =	vst v63  }
0x20: {  	_ =	swait.ge [sflag:s13], $0x2800  }
0x21: {  	[sflag:s13] =	ssyncset.done $0x0  }
0x22: {  	[sflag:s13] =	ssyncadd.s32 $0xFFFFD800  }
0x23: {  	[bflag:$0x0] =	sbarrier.arrive $0xFFFF  }
0x24: {  	[tilespmem:s16], [sflag:$0x1] =	stream.indirect.gather [hbm4b:s1+s15], $0x80, s4, s15, $0xb8;
	[tilespmem:$0x11000] =	vst v63  }
0x25: {  	_ = 	snop  }
0x26: {  	[tilespmem:s17], [sflag:$0x3] =	stream.indirect.gather [spmem:s3], $0x80, s14, s15, $0xb8;
	[tilespmem:$0x11000] =	vst v63  }
0x27: {  	_ = 	snop  }
0x28: {  	[tilespmem:s18], [sflag:$0x2] =	stream.indirect.gather [hbm4b:s1+s15], $0x80, s15, s15, $0xb8;
	[tilespmem:$0x11000] =	vst v63  }
0x29: {  	_ = 	snop  }
0x2a: {  	[tilespmem:s20], [sflag:$0x4] =	stream.indirect.gather [spmem:s3], $0x80, s19, s15, $0xb8;
	[tilespmem:$0x11000] =	vst v63  }
0x2b: {  	_ =	swait.ge [sflag:s21], $0x2800  }
0x2c: {  	[sflag:s21] =	ssyncset.done $0x0  }
0x2d: {  	[sflag:s21] =	ssyncadd.s32 $0xFFFFD800  }
0x2e: {  	_ =	swait.ge [sflag:s22], $0x2800  }
0x2f: {  	[sflag:s22] =	ssyncset.done $0x0  }
0x30: {  	s2 =	sadd.s32 $0xFFFFFB00, s10;
	[sflag:s22] =	ssyncadd.s32 $0xFFFFD800  }
0x31: {  	[hbm4b:s2+s4] =	stream.linear.scatter [tilespmem:s16], [sflag:$0x5], $0x2800, $0x38;
	[tilespmem:$0x11000] =	vst v63  }
0x32: {  	s0 =	sadd.s32 $0xFFFFFB00, s11  }
0x33: {  	[hbm4b:s0+s4] =	stream.linear.scatter [tilespmem:s17], [sflag:$0x5], $0x2800, $0x38;
	[tilespmem:$0x11000] =	vst v63  }
0x34: {  	_ =	swait.ge [sflag:s23], $0x2800  }
0x35: {  	[sflag:s23] =	ssyncset.done $0x0  }
0x36: {  	[sflag:s23] =	ssyncadd.s32 $0xFFFFD800  }
0x37: {  	_ =	swait.ge [sflag:s24], $0x2800  }
0x38: {  	[sflag:s24] =	ssyncset.done $0x0  }
0x39: {  	[sflag:s24] =	ssyncadd.s32 $0xFFFFD800  }
0x3a: {  	[hbm4b:s10+s4] =	stream.linear.scatter [tilespmem:s18], [sflag:$0x6], $0x2800, $0x38;
	[tilespmem:$0x11000] =	vst v63  }
0x3b: {  	_ = 	snop  }
0x3c: {  	[hbm4b:s11+s4] =	stream.linear.scatter [tilespmem:s20], [sflag:$0x6], $0x2800, $0x38;
	[tilespmem:$0x11000] =	vst v63  }
0x3d: {  	_ =	swait.ge [sflag:s25], $0x2800  }
0x3e: {  	[sflag:s25] =	ssyncset.done $0x0  }
0x3f: {  	[sflag:s25] =	ssyncadd.s32 $0xFFFFD800  }
0x40: {  	_ =	swait.ge [sflag:s25], $0x2800  }
0x41: {  	[sflag:s25] =	ssyncset.done $0x0  }
0x42: {  	s0 =	simm.s32 $0xA0;
	[sflag:s25] =	ssyncadd.s32 $0xFFFFD800  }
0x43: {  	[tilespmem:s16], [sflag:$0x1] =	stream.indirect.gather [hbm4b:s1+s15], $0x80, s0, s15, $0xb8;
	[tilespmem:$0x11000] =	vst v63  }
0x44: {  	s0 =	simm.s32 $0x28A0  }
0x45: {  	[tilespmem:s17], [sflag:$0x3] =	stream.indirect.gather [spmem:s3], $0x80, s0, s15, $0xb8;
	[tilespmem:$0x11000] =	vst v63  }
0x46: {  	_ =	swait.ge [sflag:s26], $0x2800  }
0x47: {  	[sflag:s26] =	ssyncset.done $0x0  }
0x48: {  	[sflag:s26] =	ssyncadd.s32 $0xFFFFD800  }
0x49: {  	s29 =	simm.s32 $0x280;
	_ =	swait.ge [sflag:s26], $0x2800  }
0x4a: {  	s30 =	sadd.s32 $0xA00, s10;
	s31 =	sadd.s32 $0xA00, s11;
	[sflag:s26] =	ssyncset.done $0x0  }
0x4b: {  	s2 =	simm.s32 $0x28F0;
	s0 =	simm.s32 $0xF0;
	[sflag:s26] =	ssyncadd.s32 $0xFFFFD800  }
0x4c: {  	[tilespmem:s18], [sflag:$0x2] =	stream.indirect.gather [hbm4b:s1+s15], $0x80, s0, s15, $0xb8;
	[tilespmem:$0x11000] =	vst v63  }
.LBB2_2:
0x4d: {  	[tilespmem:s20], [sflag:$0x4] =	stream.indirect.gather [spmem:s3], $0x80, s2, s15, $0xb8;
	[tilespmem:$0x11000] =	vst v63  }
0x4e: {  	s2 =	smov.u32 s29  }
0x4f: {  	p0 =	sne.s32 s29, $0x9B00;
	s29 =	sadd.s32 $0x280, s29;
	_ =	swait.ge [sflag:s21], $0x2800  }
0x50: {  	[sflag:s21] =	ssyncset.done $0x0  }
0x51: {  	[sflag:s21] =	ssyncadd.s32 $0xFFFFD800  }
0x52: {  	_ =	swait.ge [sflag:s22], $0x2800  }
0x53: {  	[sflag:s22] =	ssyncset.done $0x0  }
0x54: {  	s0 =	sadd.s32 $0xFFFFFB00, s30;
	[sflag:s22] =	ssyncadd.s32 $0xFFFFD800  }
0x55: {  	[hbm4b:s0+s4] =	stream.linear.scatter [tilespmem:s16], [sflag:$0x5], $0x2800, $0x38;
	[tilespmem:$0x11000] =	vst v63  }
0x56: {  	s0 =	sadd.s32 $0xFFFFFB00, s31  }
0x57: {  	[hbm4b:s0+s4] =	stream.linear.scatter [tilespmem:s17], [sflag:$0x5], $0x2800, $0x38;
	[tilespmem:$0x11000] =	vst v63  }
0x58: {  	_ =	swait.ge [sflag:s23], $0x2800  }
0x59: {  	[sflag:s23] =	ssyncset.done $0x0  }
0x5a: {  	[sflag:s23] =	ssyncadd.s32 $0xFFFFD800  }
0x5b: {  	_ =	swait.ge [sflag:s24], $0x2800  }
0x5c: {  	[sflag:s24] =	ssyncset.done $0x0  }
0x5d: {  	[sflag:s24] =	ssyncadd.s32 $0xFFFFD800  }
0x5e: {  	[hbm4b:s30+s4] =	stream.linear.scatter [tilespmem:s18], [sflag:$0x6], $0x2800, $0x38;
	[tilespmem:$0x11000] =	vst v63  }
0x5f: {  	_ = 	snop  }
0x60: {  	[hbm4b:s31+s4] =	stream.linear.scatter [tilespmem:s20], [sflag:$0x6], $0x2800, $0x38;
	[tilespmem:$0x11000] =	vst v63  }
0x61: {  	_ =	swait.ge [sflag:s25], $0x2800  }
0x62: {  	[sflag:s25] =	ssyncset.done $0x0  }
0x63: {  	[sflag:s25] =	ssyncadd.s32 $0xFFFFD800  }
0x64: {  	_ =	swait.ge [sflag:s25], $0x2800  }
0x65: {  	s0 =	sshra.s32 s2, $0x2;
	[sflag:s25] =	ssyncset.done $0x0  }
0x66: {  	s2 =	sadd.s32 $0xA0, s0;
	[sflag:s25] =	ssyncadd.s32 $0xFFFFD800  }
0x67: {  	[tilespmem:s16], [sflag:$0x1] =	stream.indirect.gather [hbm4b:s1+s15], $0x80, s2, s15, $0xb8;
	[tilespmem:$0x11000] =	vst v63  }
0x68: {  	s2 =	sadd.s32 $0x28A0, s0  }
0x69: {  	[tilespmem:s17], [sflag:$0x3] =	stream.indirect.gather [spmem:s3], $0x80, s2, s15, $0xb8;
	[tilespmem:$0x11000] =	vst v63  }
0x6a: {  	_ =	swait.ge [sflag:s26], $0x2800  }
0x6b: {  	[sflag:s26] =	ssyncset.done $0x0  }
0x6c: {  	[sflag:s26] =	ssyncadd.s32 $0xFFFFD800  }
.Ltmp0:
0x6d: {  	_ =	swait.ge [sflag:s26], $0x2800;
	(pc) =	sbr.rel @p0 .LBB2_2-.Ltmp0, $4  }
0x6e: {  	[sflag:s26] =	ssyncset.done $0x0  }
0x6f: {  	s2 =	sadd.s32 $0xF0, s0;
	[sflag:s26] =	ssyncadd.s32 $0xFFFFD800  }
0x70: {  	[tilespmem:s18], [sflag:$0x2] =	stream.indirect.gather [hbm4b:s1+s15], $0x80, s2, s15, $0xb8;
	[tilespmem:$0x11000] =	vst v63  }
0x71: {  	s30 =	sadd.s32 $0xA00, s30;
	s31 =	sadd.s32 $0xA00, s31;
	s2 =	sadd.s32 $0x28F0, s0  }
0x72: {  	[tilespmem:s20], [sflag:$0x4] =	stream.indirect.gather [spmem:s3], $0x80, s2, s15, $0xb8;
	[tilespmem:$0x11000] =	vst v63  }
0x73: {  	_ =	swait.ge [sflag:s21], $0x2800  }
0x74: {  	[sflag:s21] =	ssyncset.done $0x0  }
0x75: {  	[sflag:s21] =	ssyncadd.s32 $0xFFFFD800  }
0x76: {  	_ =	swait.ge [sflag:s22], $0x2800  }
0x77: {  	[sflag:s22] =	ssyncset.done $0x0  }
0x78: {  	s28 =	sadd.s32 $0x1, s28;
	[sflag:s22] =	ssyncadd.s32 $0xFFFFD800  }
0x79: {  	p0 =	sne.s32 s28, s9;
	_ =	swait.ge [sflag:s23], $0x2800  }
.Ltmp1:
0x7a: {  	[sflag:s23] =	ssyncset.done $0x0;
	(pc) =	sbr.rel @p0 .LBB2_1-.Ltmp1, $4  }
0x7b: {  	[sflag:s23] =	ssyncadd.s32 $0xFFFFD800  }
0x7c: {  	_ =	swait.ge [sflag:s24], $0x2800  }
0x7d: {  	[sflag:s24] =	ssyncset.done $0x0  }
0x7e: {  	[sflag:s24] =	ssyncadd.s32 $0xFFFFD800  }
0x7f: {  	_ =	sfence.sel $0x180000  }
0x80: {  	[bflag:$0x0] =	sbarrier.arrive $0xFFFF  }
0x81: {  	_ =	strace $0x90000047  }
0x82: {  	s0 =	stileid.u32;
	[bflag:$0x2] =	sbarrier.arrive $0xFFFF  }
0x83: {  	p0 =	sne.s32 s0, $0x0;
	s0 =	rddreg [dreg:$0x4]  }
0x84: {  	s0 =	sadd.s32 @!p0 $0x100000, s0  }
0x85: {  	[sflag:s0] =	ssyncadd.tile.s32 @!p0 $0x1;
	_ =	shalt  }
.Lfunc_end2:
_tile_overlayer_lowered:
.L_overlay_start_2:
0x86: {  	(tag) =	ssettag $0x2  }
0x87: {  	s0 =	rddreg [dreg:$0x0];
	s2 =	stileid.u32  }
0x88: {  	s1 =	rddreg [dreg:$0x1];
	p0 =	sne.s32 s2, $0x0  }
0x89: {  	s3 =	rddreg [dreg:$0x2];
	[bflag:$0x3] =	sbarrier.arrive $0xFFFF;
	s2 =	simm.s32 @!p0 $0x1C07  }
0x8a: {  	[timem:s3], [sflag:s2] =	dma.local @!p0 [hbm:s0], s1  }
0x8b: {  	s0 =	simm.s32 @!p0 $0x7  }
0x8c: {  	_ =	swait.ge @!p0 [sflag:s0], s1  }
0x8d: {  	s1 =	ssub.s32 @!p0 $0x0, s1;
	[sflag:s0] =	ssyncset.done @!p0 $0x0  }
0x8e: {  	[sflag:s0] =	ssyncadd.s32 @!p0 s1  }
0x8f: {  	[bflag:$0x3] =	sbarrier.arrive $0xFFFF  }
0x90: {  	_ =	shalt  }

</sc_bundles>
